<compile_context>
chip_gen: v7x
topology: tpu7x:2x2x1
jax: 0.10.2.dev20260603
libtpu: 0.0.44.dev20260713+nightly
codegen_flags: <defaults>
</compile_context>

<pallas_src>
import functools

import jax
import jax.numpy as jnp
from jax import lax
from jax.experimental import pallas as pl
from jax.experimental.pallas import tpu as pltpu
from jax.experimental.pallas import tpu_sc as plsc

N_NODES = 10000
D = 128
NC = 2
NS = 16
NW = NC * NS
CHUNK = 56
NCHUNKS = 180
E_PAD = NW * NCHUNKS * CHUNK
N_PAD = 10112
ROWS_PER_SUB = N_PAD // NS
DEG_W = 16

_MESH = plsc.VectorSubcoreMesh(core_axis_name="c", subcore_axis_name="s")
_SC_PARAMS = pltpu.CompilerParams(use_tc_tiling_on_sc=False)


def _make_sc_agg(compute_deg: bool):
    depth = 3 if compute_deg else 4
    out_type = [jax.ShapeDtypeStruct((NC, N_PAD, D), jnp.float32)]
    scratch = (
        [pltpu.VMEM_SHARED((N_PAD, D), jnp.float32)]
        + [pltpu.VMEM((NCHUNKS, CHUNK), jnp.int32)] * 2
        + [pltpu.VMEM((CHUNK, D), jnp.float32)] * depth
        + [pltpu.SemaphoreType.DMA] * (2 * depth)
    )
    if compute_deg:
        out_type.append(jax.ShapeDtypeStruct((NC, N_PAD, DEG_W), jnp.bfloat16))
        scratch = scratch + [
            pltpu.VMEM_SHARED((N_PAD, DEG_W), jnp.bfloat16),
            pltpu.VMEM((CHUNK, DEG_W), jnp.bfloat16),
            pltpu.SemaphoreType.DMA,
        ]

    @functools.partial(pl.kernel, mesh=_MESH, out_type=out_type,
                       scratch_types=scratch, compiler_params=_SC_PARAMS)
    def sc_agg(*refs):
        if compute_deg:
            (x_hbm, src_hbm, dst_hbm, zrow_hbm, zdeg_hbm, ones_hbm,
             acc_out, deg_out, acc_sh, src_v, dst_v, *rest) = refs
            rows = rest[:depth]
            gsem = rest[depth:2 * depth]
            ssem = rest[2 * depth:3 * depth]
            deg_sh, ones_v, dsem = rest[3 * depth:]
        else:
            (x_hbm, src_hbm, dst_hbm, zrow_hbm,
             acc_out, acc_sh, src_v, dst_v, *rest) = refs
            rows = rest[:depth]
            gsem = rest[depth:2 * depth]
            ssem = rest[2 * depth:]
        cid = lax.axis_index("c")
        sid = lax.axis_index("s")
        w = cid * NS + sid
        sub_rows = pl.ds(sid * ROWS_PER_SUB, ROWS_PER_SUB)
        cps = [pltpu.async_copy(zrow_hbm, acc_sh.at[sub_rows], gsem[0]),
               pltpu.async_copy(src_hbm.at[w], src_v, gsem[1]),
               pltpu.async_copy(dst_hbm.at[w], dst_v, gsem[2])]
        if compute_deg:
            cps.append(pltpu.async_copy(zdeg_hbm, deg_sh.at[sub_rows], dsem))
            cps.append(pltpu.async_copy(ones_hbm, ones_v, ssem[0]))
        for cp in cps:
            cp.wait()
        plsc.subcore_barrier()

        def gstart(c, b):
            pltpu.async_copy(x_hbm.at[src_v.at[c]], rows[b], gsem[b])

        def gwait(b):
            pltpu.make_async_copy(x_hbm.at[src_v.at[0]], rows[b], gsem[b]).wait()

        def sstart(c, b):
            pltpu.async_copy(rows[b], acc_sh.at[dst_v.at[c]], ssem[b], add=True)

        def swait(b):
            pltpu.make_async_copy(rows[b], acc_sh.at[dst_v.at[0]], ssem[b]).wait()

        def dstart(c):
            pltpu.async_copy(ones_v, deg_sh.at[dst_v.at[c]], dsem, add=True)

        def dwait():
            pltpu.make_async_copy(ones_v, deg_sh.at[dst_v.at[0]], dsem).wait()

        for b in range(depth):
            gstart(b, b)

        @pl.loop(0, NCHUNKS // depth)
        def _(k):
            c0 = depth * k
            for b in range(depth):
                gwait(b)
                sstart(c0 + b, b)
                if compute_deg:
                    if b == 0:
                        @pl.when(k > 0)
                        def _():
                            dwait()
                    else:
                        dwait()
                    dstart(c0 + b)
            for b in range(depth):
                swait(b)

                @pl.when(c0 + b + depth < NCHUNKS)
                def _():
                    gstart(c0 + b + depth, b)

        if compute_deg:
            dwait()
        plsc.subcore_barrier()
        pltpu.sync_copy(acc_sh.at[sub_rows], acc_out.at[cid].at[sub_rows])
        if compute_deg:
            pltpu.sync_copy(deg_sh.at[sub_rows], deg_out.at[cid].at[sub_rows])

    return sc_agg


_sc_agg_deg = _make_sc_agg(True)
_sc_agg = _make_sc_agg(False)

BLK = 1000


def _combine_body(relu, acc_ref, deg_ref, h_ref, wl_ref, wr_ref, b_ref, out_ref):
    agg = acc_ref[0] + acc_ref[1]
    deg = (deg_ref[0, :, 0:1] + deg_ref[1, :, 0:1]).astype(jnp.float32)
    mean = agg / jnp.maximum(deg, 1.0)
    dn = (((1,), (1,)), ((), ()))
    out = (lax.dot_general(mean, wl_ref[...], dn,
                           preferred_element_type=jnp.float32,
                           precision=lax.Precision.HIGHEST)
           + lax.dot_general(h_ref[...], wr_ref[...], dn,
                             preferred_element_type=jnp.float32,
                             precision=lax.Precision.HIGHEST)
           + b_ref[...])
    out_ref[...] = jnp.maximum(out, 0.0) if relu else out


def _combine(acc, deg, h, wl, wr, b, relu):
    return pl.pallas_call(
        functools.partial(_combine_body, relu),
        grid=(N_NODES // BLK,),
        in_specs=[
            pl.BlockSpec((NC, BLK, D), lambda i: (0, i, 0)),
            pl.BlockSpec((NC, BLK, DEG_W), lambda i: (0, i, 0)),
            pl.BlockSpec((BLK, D), lambda i: (i, 0)),
            pl.BlockSpec((D, D), lambda i: (0, 0)),
            pl.BlockSpec((D, D), lambda i: (0, 0)),
            pl.BlockSpec((1, D), lambda i: (0, 0)),
        ],
        out_specs=pl.BlockSpec((BLK, D), lambda i: (i, 0)),
        out_shape=jax.ShapeDtypeStruct((N_NODES, D), jnp.float32),
    )(acc, deg, h, wl, wr, b.reshape(1, D))


def kernel(x, edge_index, Wl0, Wr0, b0, Wl1, Wr1, b1, Wl2, Wr2, b2):
    src = edge_index[0].astype(jnp.int32)
    dst = edge_index[1].astype(jnp.int32)
    e = src.shape[0]
    pad = E_PAD - e
    pad_idx = jnp.arange(pad, dtype=jnp.int32)
    src3 = jnp.concatenate([src, pad_idx % N_NODES]).reshape(NW, NCHUNKS, CHUNK)
    dst3 = jnp.concatenate(
        [dst, N_NODES + pad_idx % (N_PAD - N_NODES)]).reshape(NW, NCHUNKS, CHUNK)
    zrow = jnp.zeros((ROWS_PER_SUB, D), jnp.float32)
    zdeg = jnp.zeros((ROWS_PER_SUB, DEG_W), jnp.bfloat16)
    ones = jnp.ones((CHUNK, DEG_W), jnp.bfloat16)

    acc, deg = _sc_agg_deg(x, src3, dst3, zrow, zdeg, ones)
    h = _combine(acc, deg, x, Wl0, Wr0, b0, relu=True)
    acc, = _sc_agg(h, src3, dst3, zrow)
    h = _combine(acc, deg, h, Wl1, Wr1, b1, relu=True)
    acc, = _sc_agg(h, src3, dst3, zrow)
    return _combine(acc, deg, h, Wl2, Wr2, b2, relu=False)

# --- scband reference (transcript-rebuilt; emitter-appended) ---
"""Pipeline reference for scband-graph-sage-84112639525007 (READ-ONLY COPY).

The authoritative reference and input builder live on the scoring server;
editing this copy changes nothing except your own understanding.
"""

import jax, jax.numpy as jnp
import numpy as np

N_NODES = 10000
N_EDGES = 320000
D_IN = 128
D_HID = 128
NUM_LAYERS = 3


def setup_inputs(seed: int = 0) -> dict:
    key = jax.random.key(seed)
    ks = jax.random.split(key, 2 + 3 * NUM_LAYERS)
    x = jax.random.normal(ks[0], (N_NODES, D_IN), dtype=jnp.float32)
    edge_index = jax.random.randint(ks[1], (2, N_EDGES), 0, N_NODES, dtype=jnp.int64)
    inp = {"x": x, "edge_index": edge_index}
    in_dims = [D_IN] + [D_HID] * (NUM_LAYERS - 1)
    for i in range(NUM_LAYERS):
        d_in = in_dims[i]
        scale = 1.0 / np.sqrt(d_in)
        inp[f"Wl{i}"] = jax.random.uniform(ks[2 + 3 * i], (D_HID, d_in), dtype=jnp.float32, minval=-scale, maxval=scale)
        inp[f"Wr{i}"] = jax.random.uniform(ks[3 + 3 * i], (D_HID, d_in), dtype=jnp.float32, minval=-scale, maxval=scale)
        inp[f"b{i}"] = jax.random.uniform(ks[4 + 3 * i], (D_HID,), dtype=jnp.float32, minval=-scale, maxval=scale)
    return inp


def _sage_conv(x, edge_index, Wl, Wr, b):
    # PyG-style SAGEConv with mean aggregation:
    #   out = lin_l(mean_{j in N(i)} x_j) + lin_r(x_i)
    src = edge_index[0]
    dst = edge_index[1]
    n = x.shape[0]
    msgs = jnp.take(x, src, axis=0)                         # gather (SparseCore)
    agg = jax.ops.segment_sum(msgs, dst, num_segments=n)    # scatter-add
    deg = jax.ops.segment_sum(jnp.ones((msgs.shape[0],), dtype=x.dtype), dst, num_segments=n)
    mean = agg / jnp.clip(deg, 1.0, None)[:, None]
    return mean @ Wl.T + x @ Wr.T + b


def reference(x, edge_index, Wl0, Wr0, b0, Wl1, Wr1, b1, Wl2, Wr2, b2):
    # eval mode: dropout is identity
    h = _sage_conv(x, edge_index, Wl0, Wr0, b0)
    h = jax.nn.relu(h)
    h = _sage_conv(h, edge_index, Wl1, Wr1, b1)
    h = jax.nn.relu(h)
    h = _sage_conv(h, edge_index, Wl2, Wr2, b2)
    return h

if __name__ == "__main__":
    import jax
    _d = setup_inputs()
    print(jax.jit(kernel)(*tuple(_d.values())))

</pallas_src>

<mosaic_0001>
#map = affine_map<(d0, d1) -> (0, 0)>
#map1 = affine_map<(d0, d1) -> (0, 0, 0)>
module attributes {stable_mosaic.version = 14 : i64} {
  func.func @sc_agg(%arg0: i32, %arg1: i32, %arg2: memref<10000x128xf32, #tpu.memory_space<hbm>>, %arg3: memref<32x180x56xi32, #tpu.memory_space<hbm>>, %arg4: memref<32x180x56xi32, #tpu.memory_space<hbm>>, %arg5: memref<632x128xf32, #tpu.memory_space<hbm>>, %arg6: memref<2x10112x128xf32, #tpu.memory_space<hbm>>, %arg7: memref<10112x128xf32, #tpu.memory_space<vmem_shared>>, %arg8: memref<180x56xi32, #tpu.memory_space<vmem>>, %arg9: memref<180x56xi32, #tpu.memory_space<vmem>>, %arg10: memref<56x128xf32, #tpu.memory_space<vmem>>, %arg11: memref<56x128xf32, #tpu.memory_space<vmem>>, %arg12: memref<56x128xf32, #tpu.memory_space<vmem>>, %arg13: memref<56x128xf32, #tpu.memory_space<vmem>>, %arg14: memref<!tpu.dma_semaphore, #tpu.memory_space<semaphore_mem>>, %arg15: memref<!tpu.dma_semaphore, #tpu.memory_space<semaphore_mem>>, %arg16: memref<!tpu.dma_semaphore, #tpu.memory_space<semaphore_mem>>, %arg17: memref<!tpu.dma_semaphore, #tpu.memory_space<semaphore_mem>>, %arg18: memref<!tpu.dma_semaphore, #tpu.memory_space<semaphore_mem>>, %arg19: memref<!tpu.dma_semaphore, #tpu.memory_space<semaphore_mem>>, %arg20: memref<!tpu.dma_semaphore, #tpu.memory_space<semaphore_mem>>, %arg21: memref<!tpu.dma_semaphore, #tpu.memory_space<semaphore_mem>>) attributes {dimension_semantics = [#tpu.dimension_semantics<core_parallel>, #tpu.dimension_semantics<subcore_parallel>], iteration_bounds = array<i64: 2, 16>, scalar_prefetch = 0 : i64, scratch_operands = 15 : i64, tpu.core_type = #tpu.core_type<sc_vector_subcore>, window_params = [{transform_indices = #map}, {transform_indices = #map1}, {transform_indices = #map1}, {transform_indices = #map}, {transform_indices = #map1}]} {
    %mul3A = arith.constant 16 : i32
    %mul3A_0 = arith.muli %arg0, %mul3A : i32
    %add3A = arith.addi %mul3A_0, %arg1 : i32
    %mul3A_1 = arith.constant 632 : i32
    %mul3A_2 = arith.muli %arg1, %mul3A_1 : i32
    %dma_start3A = arith.constant 0 : i32
    %dma_start3A_3 = tpu.memref_slice %arg7[%mul3A_2, %dma_start3A] : memref<10112x128xf32, #tpu.memory_space<vmem_shared>> -> memref<632x128xf32, #tpu.memory_space<vmem_shared>>
    tpu.enqueue_dma source(%arg5 : memref<632x128xf32, #tpu.memory_space<hbm>>) target(%dma_start3A_3 : memref<632x128xf32, #tpu.memory_space<vmem_shared>>) target_semaphore(%arg14 : memref<!tpu.dma_semaphore, #tpu.memory_space<semaphore_mem>>)
    %dma_start3A_4 = arith.constant 0 : i32
    %dma_start3A_5 = arith.constant 0 : i32
    %dma_start3A_6 = tpu.memref_slice %arg3[%add3A, %dma_start3A_4, %dma_start3A_5] : memref<32x180x56xi32, #tpu.memory_space<hbm>> -> memref<1x180x56xi32, #tpu.memory_space<hbm>>
    %dma_start3A_7 = tpu.memref_squeeze %dma_start3A_6 : memref<1x180x56xi32, #tpu.memory_space<hbm>> -> memref<180x56xi32, #tpu.memory_space<hbm>>
    %dma_start3A_8 = arith.constant 0 : i32
    %dma_start3A_9 = arith.constant 0 : i32
    %dma_start3A_10 = tpu.memref_slice %arg3[%add3A, %dma_start3A_8, %dma_start3A_9] : memref<32x180x56xi32, #tpu.memory_space<hbm>> -> memref<1x180x56xi32, #tpu.memory_space<hbm>>
    %dma_start3A_11 = tpu.memref_squeeze %dma_start3A_10 : memref<1x180x56xi32, #tpu.memory_space<hbm>> -> memref<180x56xi32, #tpu.memory_space<hbm>>
    tpu.enqueue_dma source(%dma_start3A_11 : memref<180x56xi32, #tpu.memory_space<hbm>>) target(%arg8 : memref<180x56xi32, #tpu.memory_space<vmem>>) target_semaphore(%arg15 : memref<!tpu.dma_semaphore, #tpu.memory_space<semaphore_mem>>)
    %dma_start3A_12 = arith.constant 0 : i32
    %dma_start3A_13 = arith.constant 0 : i32
    %dma_start3A_14 = tpu.memref_slice %arg4[%add3A, %dma_start3A_12, %dma_start3A_13] : memref<32x180x56xi32, #tpu.memory_space<hbm>> -> memref<1x180x56xi32, #tpu.memory_space<hbm>>
    %dma_start3A_15 = tpu.memref_squeeze %dma_start3A_14 : memref<1x180x56xi32, #tpu.memory_space<hbm>> -> memref<180x56xi32, #tpu.memory_space<hbm>>
    %dma_start3A_16 = arith.constant 0 : i32
    %dma_start3A_17 = arith.constant 0 : i32
    %dma_start3A_18 = tpu.memref_slice %arg4[%add3A, %dma_start3A_16, %dma_start3A_17] : memref<32x180x56xi32, #tpu.memory_space<hbm>> -> memref<1x180x56xi32, #tpu.memory_space<hbm>>
    %dma_start3A_19 = tpu.memref_squeeze %dma_start3A_18 : memref<1x180x56xi32, #tpu.memory_space<hbm>> -> memref<180x56xi32, #tpu.memory_space<hbm>>
    tpu.enqueue_dma source(%dma_start3A_19 : memref<180x56xi32, #tpu.memory_space<hbm>>) target(%arg9 : memref<180x56xi32, #tpu.memory_space<vmem>>) target_semaphore(%arg16 : memref<!tpu.dma_semaphore, #tpu.memory_space<semaphore_mem>>)
    %dma_wait3A = arith.constant 0 : i32
    %dma_wait3A_20 = tpu.memref_slice %arg7[%mul3A_2, %dma_wait3A] : memref<10112x128xf32, #tpu.memory_space<vmem_shared>> -> memref<632x128xf32, #tpu.memory_space<vmem_shared>>
    tpu.wait_dma2 semaphore(%arg14 : memref<!tpu.dma_semaphore, #tpu.memory_space<semaphore_mem>>) src(%arg5 : memref<632x128xf32, #tpu.memory_space<hbm>>) dst(%dma_wait3A_20 : memref<632x128xf32, #tpu.memory_space<vmem_shared>>)
    %dma_wait3A_21 = arith.constant 0 : i32
    %dma_wait3A_22 = arith.constant 0 : i32
    %dma_wait3A_23 = tpu.memref_slice %arg3[%add3A, %dma_wait3A_21, %dma_wait3A_22] : memref<32x180x56xi32, #tpu.memory_space<hbm>> -> memref<1x180x56xi32, #tpu.memory_space<hbm>>
    %dma_wait3A_24 = tpu.memref_squeeze %dma_wait3A_23 : memref<1x180x56xi32, #tpu.memory_space<hbm>> -> memref<180x56xi32, #tpu.memory_space<hbm>>
    %dma_wait3A_25 = arith.constant 0 : i32
    %dma_wait3A_26 = arith.constant 0 : i32
    %dma_wait3A_27 = tpu.memref_slice %arg3[%add3A, %dma_wait3A_25, %dma_wait3A_26] : memref<32x180x56xi32, #tpu.memory_space<hbm>> -> memref<1x180x56xi32, #tpu.memory_space<hbm>>
    %dma_wait3A_28 = tpu.memref_squeeze %dma_wait3A_27 : memref<1x180x56xi32, #tpu.memory_space<hbm>> -> memref<180x56xi32, #tpu.memory_space<hbm>>
    tpu.wait_dma2 semaphore(%arg15 : memref<!tpu.dma_semaphore, #tpu.memory_space<semaphore_mem>>) src(%dma_wait3A_28 : memref<180x56xi32, #tpu.memory_space<hbm>>) dst(%arg8 : memref<180x56xi32, #tpu.memory_space<vmem>>)
    %dma_wait3A_29 = arith.constant 0 : i32
    %dma_wait3A_30 = arith.constant 0 : i32
    %dma_wait3A_31 = tpu.memref_slice %arg4[%add3A, %dma_wait3A_29, %dma_wait3A_30] : memref<32x180x56xi32, #tpu.memory_space<hbm>> -> memref<1x180x56xi32, #tpu.memory_space<hbm>>
    %dma_wait3A_32 = tpu.memref_squeeze %dma_wait3A_31 : memref<1x180x56xi32, #tpu.memory_space<hbm>> -> memref<180x56xi32, #tpu.memory_space<hbm>>
    %dma_wait3A_33 = arith.constant 0 : i32
    %dma_wait3A_34 = arith.constant 0 : i32
    %dma_wait3A_35 = tpu.memref_slice %arg4[%add3A, %dma_wait3A_33, %dma_wait3A_34] : memref<32x180x56xi32, #tpu.memory_space<hbm>> -> memref<1x180x56xi32, #tpu.memory_space<hbm>>
    %dma_wait3A_36 = tpu.memref_squeeze %dma_wait3A_35 : memref<1x180x56xi32, #tpu.memory_space<hbm>> -> memref<180x56xi32, #tpu.memory_space<hbm>>
    tpu.wait_dma2 semaphore(%arg16 : memref<!tpu.dma_semaphore, #tpu.memory_space<semaphore_mem>>) src(%dma_wait3A_36 : memref<180x56xi32, #tpu.memory_space<hbm>>) dst(%arg9 : memref<180x56xi32, #tpu.memory_space<vmem>>)
    %barrier3A = arith.constant 0 : index
    tpu.barrier barrier_id(%barrier3A)
    %dma_start3A_37 = arith.constant 0 : i32
    %dma_start3A_38 = arith.constant 0 : i32
    %dma_start3A_39 = tpu.memref_slice %arg8[%dma_start3A_37, %dma_start3A_38] : memref<180x56xi32, #tpu.memory_space<vmem>> -> memref<1x56xi32, #tpu.memory_space<vmem>>
    %dma_start3A_40 = tpu.memref_squeeze %dma_start3A_39 : memref<1x56xi32, #tpu.memory_space<vmem>> -> memref<56xi32, #tpu.memory_space<vmem>>
    %dma_start3A_41 = arith.constant 0 : i32
    %dma_start3A_42 = arith.constant 0 : i32
    %dma_start3A_43 = tpu.memref_slice %arg2[%dma_start3A_41, %dma_start3A_42] : memref<10000x128xf32, #tpu.memory_space<hbm>> -> memref<10000x128xf32, #tpu.memory_space<hbm>>
    tpu.enqueue_indirect_dma source(%dma_start3A_43 : memref<10000x128xf32, #tpu.memory_space<hbm>>) target(%arg10 : memref<56x128xf32, #tpu.memory_space<vmem>>) offsets(%dma_start3A_40 : memref<56xi32, #tpu.memory_space<vmem>>) semaphore(%arg14 : memref<!tpu.dma_semaphore, #tpu.memory_space<semaphore_mem>>)
    %dma_start3A_44 = arith.constant 1 : i32
    %dma_start3A_45 = arith.constant 0 : i32
    %dma_start3A_46 = tpu.memref_slice %arg8[%dma_start3A_44, %dma_start3A_45] : memref<180x56xi32, #tpu.memory_space<vmem>> -> memref<1x56xi32, #tpu.memory_space<vmem>>
    %dma_start3A_47 = tpu.memref_squeeze %dma_start3A_46 : memref<1x56xi32, #tpu.memory_space<vmem>> -> memref<56xi32, #tpu.memory_space<vmem>>
    %dma_start3A_48 = arith.constant 0 : i32
    %dma_start3A_49 = arith.constant 0 : i32
    %dma_start3A_50 = tpu.memref_slice %arg2[%dma_start3A_48, %dma_start3A_49] : memref<10000x128xf32, #tpu.memory_space<hbm>> -> memref<10000x128xf32, #tpu.memory_space<hbm>>
    tpu.enqueue_indirect_dma source(%dma_start3A_50 : memref<10000x128xf32, #tpu.memory_space<hbm>>) target(%arg11 : memref<56x128xf32, #tpu.memory_space<vmem>>) offsets(%dma_start3A_47 : memref<56xi32, #tpu.memory_space<vmem>>) semaphore(%arg15 : memref<!tpu.dma_semaphore, #tpu.memory_space<semaphore_mem>>)
    %dma_start3A_51 = arith.constant 2 : i32
    %dma_start3A_52 = arith.constant 0 : i32
    %dma_start3A_53 = tpu.memref_slice %arg8[%dma_start3A_51, %dma_start3A_52] : memref<180x56xi32, #tpu.memory_space<vmem>> -> memref<1x56xi32, #tpu.memory_space<vmem>>
    %dma_start3A_54 = tpu.memref_squeeze %dma_start3A_53 : memref<1x56xi32, #tpu.memory_space<vmem>> -> memref<56xi32, #tpu.memory_space<vmem>>
    %dma_start3A_55 = arith.constant 0 : i32
    %dma_start3A_56 = arith.constant 0 : i32
    %dma_start3A_57 = tpu.memref_slice %arg2[%dma_start3A_55, %dma_start3A_56] : memref<10000x128xf32, #tpu.memory_space<hbm>> -> memref<10000x128xf32, #tpu.memory_space<hbm>>
    tpu.enqueue_indirect_dma source(%dma_start3A_57 : memref<10000x128xf32, #tpu.memory_space<hbm>>) target(%arg12 : memref<56x128xf32, #tpu.memory_space<vmem>>) offsets(%dma_start3A_54 : memref<56xi32, #tpu.memory_space<vmem>>) semaphore(%arg16 : memref<!tpu.dma_semaphore, #tpu.memory_space<semaphore_mem>>)
    %dma_start3A_58 = arith.constant 3 : i32
    %dma_start3A_59 = arith.constant 0 : i32
    %dma_start3A_60 = tpu.memref_slice %arg8[%dma_start3A_58, %dma_start3A_59] : memref<180x56xi32, #tpu.memory_space<vmem>> -> memref<1x56xi32, #tpu.memory_space<vmem>>
    %dma_start3A_61 = tpu.memref_squeeze %dma_start3A_60 : memref<1x56xi32, #tpu.memory_space<vmem>> -> memref<56xi32, #tpu.memory_space<vmem>>
    %dma_start3A_62 = arith.constant 0 : i32
    %dma_start3A_63 = arith.constant 0 : i32
    %dma_start3A_64 = tpu.memref_slice %arg2[%dma_start3A_62, %dma_start3A_63] : memref<10000x128xf32, #tpu.memory_space<hbm>> -> memref<10000x128xf32, #tpu.memory_space<hbm>>
    tpu.enqueue_indirect_dma source(%dma_start3A_64 : memref<10000x128xf32, #tpu.memory_space<hbm>>) target(%arg13 : memref<56x128xf32, #tpu.memory_space<vmem>>) offsets(%dma_start3A_61 : memref<56xi32, #tpu.memory_space<vmem>>) semaphore(%arg17 : memref<!tpu.dma_semaphore, #tpu.memory_space<semaphore_mem>>)
    %scan3A = arith.constant 0 : i32
    %scan3A_65 = arith.constant 45 : i32
    %scan3A_66 = arith.addi %scan3A, %scan3A_65 : i32
    %scan3A_67 = arith.constant 1 : i32
    scf.for %scan3A_70 = %scan3A to %scan3A_66 step %scan3A_67  : i32 {
      %mul3A_71 = arith.constant 1 : i32
      %mul3A_72 = arith.muli %scan3A_70, %mul3A_71 : i32
      %add3A_73 = arith.constant 0 : i32
      %add3A_74 = arith.addi %add3A_73, %mul3A_72 : i32
      %mul3A_75 = arith.constant 4 : i32
      %mul3A_76 = arith.muli %mul3A_75, %add3A_74 : i32
      %dma_wait3A_77 = arith.constant 0 : i32
      %dma_wait3A_78 = arith.constant 0 : i32
      %dma_wait3A_79 = tpu.memref_slice %arg8[%dma_wait3A_77, %dma_wait3A_78] : memref<180x56xi32, #tpu.memory_space<vmem>> -> memref<1x56xi32, #tpu.memory_space<vmem>>
      %dma_wait3A_80 = tpu.memref_squeeze %dma_wait3A_79 : memref<1x56xi32, #tpu.memory_space<vmem>> -> memref<56xi32, #tpu.memory_space<vmem>>
      %dma_wait3A_81 = arith.constant 0 : i32
      %dma_wait3A_82 = arith.constant 0 : i32
      %dma_wait3A_83 = tpu.memref_slice %arg2[%dma_wait3A_81, %dma_wait3A_82] : memref<10000x128xf32, #tpu.memory_space<hbm>> -> memref<10000x128xf32, #tpu.memory_space<hbm>>
      tpu.wait_indirect_dma semaphore(%arg14 : memref<!tpu.dma_semaphore, #tpu.memory_space<semaphore_mem>>) src(%dma_wait3A_83 : memref<10000x128xf32, #tpu.memory_space<hbm>>) dst(%arg10 : memref<56x128xf32, #tpu.memory_space<vmem>>)
      %add3A_84 = arith.constant 0 : i32
      %add3A_85 = arith.addi %mul3A_76, %add3A_84 : i32
      %dma_start3A_86 = arith.constant 0 : i32
      %dma_start3A_87 = tpu.memref_slice %arg9[%add3A_85, %dma_start3A_86] : memref<180x56xi32, #tpu.memory_space<vmem>> -> memref<1x56xi32, #tpu.memory_space<vmem>>
      %dma_start3A_88 = tpu.memref_squeeze %dma_start3A_87 : memref<1x56xi32, #tpu.memory_space<vmem>> -> memref<56xi32, #tpu.memory_space<vmem>>
      %dma_start3A_89 = arith.constant 0 : i32
      %dma_start3A_90 = arith.constant 0 : i32
      %dma_start3A_91 = tpu.memref_slice %arg7[%dma_start3A_89, %dma_start3A_90] : memref<10112x128xf32, #tpu.memory_space<vmem_shared>> -> memref<10112x128xf32, #tpu.memory_space<vmem_shared>>
      tpu.enqueue_indirect_dma source(%arg10 : memref<56x128xf32, #tpu.memory_space<vmem>>) target(%dma_start3A_91 : memref<10112x128xf32, #tpu.memory_space<vmem_shared>>) offsets(%dma_start3A_88 : memref<56xi32, #tpu.memory_space<vmem>>) semaphore(%arg18 : memref<!tpu.dma_semaphore, #tpu.memory_space<semaphore_mem>>) {add = true}
      %dma_wait3A_92 = arith.constant 0 : i32
      %dma_wait3A_93 = arith.constant 0 : i32
      %dma_wait3A_94 = tpu.memref_slice %arg8[%dma_wait3A_92, %dma_wait3A_93] : memref<180x56xi32, #tpu.memory_space<vmem>> -> memref<1x56xi32, #tpu.memory_space<vmem>>
      %dma_wait3A_95 = tpu.memref_squeeze %dma_wait3A_94 : memref<1x56xi32, #tpu.memory_space<vmem>> -> memref<56xi32, #tpu.memory_space<vmem>>
      %dma_wait3A_96 = arith.constant 0 : i32
      %dma_wait3A_97 = arith.constant 0 : i32
      %dma_wait3A_98 = tpu.memref_slice %arg2[%dma_wait3A_96, %dma_wait3A_97] : memref<10000x128xf32, #tpu.memory_space<hbm>> -> memref<10000x128xf32, #tpu.memory_space<hbm>>
      tpu.wait_indirect_dma semaphore(%arg15 : memref<!tpu.dma_semaphore, #tpu.memory_space<semaphore_mem>>) src(%dma_wait3A_98 : memref<10000x128xf32, #tpu.memory_space<hbm>>) dst(%arg11 : memref<56x128xf32, #tpu.memory_space<vmem>>)
      %add3A_99 = arith.constant 1 : i32
      %add3A_100 = arith.addi %mul3A_76, %add3A_99 : i32
      %dma_start3A_101 = arith.constant 0 : i32
      %dma_start3A_102 = tpu.memref_slice %arg9[%add3A_100, %dma_start3A_101] : memref<180x56xi32, #tpu.memory_space<vmem>> -> memref<1x56xi32, #tpu.memory_space<vmem>>
      %dma_start3A_103 = tpu.memref_squeeze %dma_start3A_102 : memref<1x56xi32, #tpu.memory_space<vmem>> -> memref<56xi32, #tpu.memory_space<vmem>>
      %dma_start3A_104 = arith.constant 0 : i32
      %dma_start3A_105 = arith.constant 0 : i32
      %dma_start3A_106 = tpu.memref_slice %arg7[%dma_start3A_104, %dma_start3A_105] : memref<10112x128xf32, #tpu.memory_space<vmem_shared>> -> memref<10112x128xf32, #tpu.memory_space<vmem_shared>>
      tpu.enqueue_indirect_dma source(%arg11 : memref<56x128xf32, #tpu.memory_space<vmem>>) target(%dma_start3A_106 : memref<10112x128xf32, #tpu.memory_space<vmem_shared>>) offsets(%dma_start3A_103 : memref<56xi32, #tpu.memory_space<vmem>>) semaphore(%arg19 : memref<!tpu.dma_semaphore, #tpu.memory_space<semaphore_mem>>) {add = true}
      %dma_wait3A_107 = arith.constant 0 : i32
      %dma_wait3A_108 = arith.constant 0 : i32
      %dma_wait3A_109 = tpu.memref_slice %arg8[%dma_wait3A_107, %dma_wait3A_108] : memref<180x56xi32, #tpu.memory_space<vmem>> -> memref<1x56xi32, #tpu.memory_space<vmem>>
      %dma_wait3A_110 = tpu.memref_squeeze %dma_wait3A_109 : memref<1x56xi32, #tpu.memory_space<vmem>> -> memref<56xi32, #tpu.memory_space<vmem>>
      %dma_wait3A_111 = arith.constant 0 : i32
      %dma_wait3A_112 = arith.constant 0 : i32
      %dma_wait3A_113 = tpu.memref_slice %arg2[%dma_wait3A_111, %dma_wait3A_112] : memref<10000x128xf32, #tpu.memory_space<hbm>> -> memref<10000x128xf32, #tpu.memory_space<hbm>>
      tpu.wait_indirect_dma semaphore(%arg16 : memref<!tpu.dma_semaphore, #tpu.memory_space<semaphore_mem>>) src(%dma_wait3A_113 : memref<10000x128xf32, #tpu.memory_space<hbm>>) dst(%arg12 : memref<56x128xf32, #tpu.memory_space<vmem>>)
      %add3A_114 = arith.constant 2 : i32
      %add3A_115 = arith.addi %mul3A_76, %add3A_114 : i32
      %dma_start3A_116 = arith.constant 0 : i32
      %dma_start3A_117 = tpu.memref_slice %arg9[%add3A_115, %dma_start3A_116] : memref<180x56xi32, #tpu.memory_space<vmem>> -> memref<1x56xi32, #tpu.memory_space<vmem>>
      %dma_start3A_118 = tpu.memref_squeeze %dma_start3A_117 : memref<1x56xi32, #tpu.memory_space<vmem>> -> memref<56xi32, #tpu.memory_space<vmem>>
      %dma_start3A_119 = arith.constant 0 : i32
      %dma_start3A_120 = arith.constant 0 : i32
      %dma_start3A_121 = tpu.memref_slice %arg7[%dma_start3A_119, %dma_start3A_120] : memref<10112x128xf32, #tpu.memory_space<vmem_shared>> -> memref<10112x128xf32, #tpu.memory_space<vmem_shared>>
      tpu.enqueue_indirect_dma source(%arg12 : memref<56x128xf32, #tpu.memory_space<vmem>>) target(%dma_start3A_121 : memref<10112x128xf32, #tpu.memory_space<vmem_shared>>) offsets(%dma_start3A_118 : memref<56xi32, #tpu.memory_space<vmem>>) semaphore(%arg20 : memref<!tpu.dma_semaphore, #tpu.memory_space<semaphore_mem>>) {add = true}
      %dma_wait3A_122 = arith.constant 0 : i32
      %dma_wait3A_123 = arith.constant 0 : i32
      %dma_wait3A_124 = tpu.memref_slice %arg8[%dma_wait3A_122, %dma_wait3A_123] : memref<180x56xi32, #tpu.memory_space<vmem>> -> memref<1x56xi32, #tpu.memory_space<vmem>>
      %dma_wait3A_125 = tpu.memref_squeeze %dma_wait3A_124 : memref<1x56xi32, #tpu.memory_space<vmem>> -> memref<56xi32, #tpu.memory_space<vmem>>
      %dma_wait3A_126 = arith.constant 0 : i32
      %dma_wait3A_127 = arith.constant 0 : i32
      %dma_wait3A_128 = tpu.memref_slice %arg2[%dma_wait3A_126, %dma_wait3A_127] : memref<10000x128xf32, #tpu.memory_space<hbm>> -> memref<10000x128xf32, #tpu.memory_space<hbm>>
      tpu.wait_indirect_dma semaphore(%arg17 : memref<!tpu.dma_semaphore, #tpu.memory_space<semaphore_mem>>) src(%dma_wait3A_128 : memref<10000x128xf32, #tpu.memory_space<hbm>>) dst(%arg13 : memref<56x128xf32, #tpu.memory_space<vmem>>)
      %add3A_129 = arith.constant 3 : i32
      %add3A_130 = arith.addi %mul3A_76, %add3A_129 : i32
      %dma_start3A_131 = arith.constant 0 : i32
      %dma_start3A_132 = tpu.memref_slice %arg9[%add3A_130, %dma_start3A_131] : memref<180x56xi32, #tpu.memory_space<vmem>> -> memref<1x56xi32, #tpu.memory_space<vmem>>
      %dma_start3A_133 = tpu.memref_squeeze %dma_start3A_132 : memref<1x56xi32, #tpu.memory_space<vmem>> -> memref<56xi32, #tpu.memory_space<vmem>>
      %dma_start3A_134 = arith.constant 0 : i32
      %dma_start3A_135 = arith.constant 0 : i32
      %dma_start3A_136 = tpu.memref_slice %arg7[%dma_start3A_134, %dma_start3A_135] : memref<10112x128xf32, #tpu.memory_space<vmem_shared>> -> memref<10112x128xf32, #tpu.memory_space<vmem_shared>>
      tpu.enqueue_indirect_dma source(%arg13 : memref<56x128xf32, #tpu.memory_space<vmem>>) target(%dma_start3A_136 : memref<10112x128xf32, #tpu.memory_space<vmem_shared>>) offsets(%dma_start3A_133 : memref<56xi32, #tpu.memory_space<vmem>>) semaphore(%arg21 : memref<!tpu.dma_semaphore, #tpu.memory_space<semaphore_mem>>) {add = true}
      %dma_wait3A_137 = arith.constant 0 : i32
      %dma_wait3A_138 = arith.constant 0 : i32
      %dma_wait3A_139 = tpu.memref_slice %arg9[%dma_wait3A_137, %dma_wait3A_138] : memref<180x56xi32, #tpu.memory_space<vmem>> -> memref<1x56xi32, #tpu.memory_space<vmem>>
      %dma_wait3A_140 = tpu.memref_squeeze %dma_wait3A_139 : memref<1x56xi32, #tpu.memory_space<vmem>> -> memref<56xi32, #tpu.memory_space<vmem>>
      %dma_wait3A_141 = arith.constant 0 : i32
      %dma_wait3A_142 = arith.constant 0 : i32
      %dma_wait3A_143 = tpu.memref_slice %arg7[%dma_wait3A_141, %dma_wait3A_142] : memref<10112x128xf32, #tpu.memory_space<vmem_shared>> -> memref<10112x128xf32, #tpu.memory_space<vmem_shared>>
      tpu.wait_indirect_dma semaphore(%arg18 : memref<!tpu.dma_semaphore, #tpu.memory_space<semaphore_mem>>) src(%arg10 : memref<56x128xf32, #tpu.memory_space<vmem>>) dst(%dma_wait3A_143 : memref<10112x128xf32, #tpu.memory_space<vmem_shared>>)
      %add3A_144 = arith.constant 0 : i32
      %add3A_145 = arith.addi %mul3A_76, %add3A_144 : i32
      %add3A_146 = arith.constant 4 : i32
      %add3A_147 = arith.addi %add3A_145, %add3A_146 : i32
      %lt3A = arith.constant 180 : i32
      %lt3A_148 = arith.cmpi slt, %add3A_147, %lt3A : i32
      %convert_element_type3A = arith.extui %lt3A_148 : i1 to i32
      %cond3A = arith.constant 0 : i32
      %cond3A_149 = arith.cmpi ne, %convert_element_type3A, %cond3A : i32
      scf.if %cond3A_149 {
        %add3A_198 = arith.constant 0 : i32
        %add3A_199 = arith.addi %mul3A_76, %add3A_198 : i32
        %add3A_200 = arith.constant 4 : i32
        %add3A_201 = arith.addi %add3A_199, %add3A_200 : i32
        %dma_start3A_202 = arith.constant 0 : i32
        %dma_start3A_203 = tpu.memref_slice %arg8[%add3A_201, %dma_start3A_202] : memref<180x56xi32, #tpu.memory_space<vmem>> -> memref<1x56xi32, #tpu.memory_space<vmem>>
        %dma_start3A_204 = tpu.memref_squeeze %dma_start3A_203 : memref<1x56xi32, #tpu.memory_space<vmem>> -> memref<56xi32, #tpu.memory_space<vmem>>
        %dma_start3A_205 = arith.constant 0 : i32
        %dma_start3A_206 = arith.constant 0 : i32
        %dma_start3A_207 = tpu.memref_slice %arg2[%dma_start3A_205, %dma_start3A_206] : memref<10000x128xf32, #tpu.memory_space<hbm>> -> memref<10000x128xf32, #tpu.memory_space<hbm>>
        tpu.enqueue_indirect_dma source(%dma_start3A_207 : memref<10000x128xf32, #tpu.memory_space<hbm>>) target(%arg10 : memref<56x128xf32, #tpu.memory_space<vmem>>) offsets(%dma_start3A_204 : memref<56xi32, #tpu.memory_space<vmem>>) semaphore(%arg14 : memref<!tpu.dma_semaphore, #tpu.memory_space<semaphore_mem>>)
      } else {
      }
      %dma_wait3A_150 = arith.constant 0 : i32
      %dma_wait3A_151 = arith.constant 0 : i32
      %dma_wait3A_152 = tpu.memref_slice %arg9[%dma_wait3A_150, %dma_wait3A_151] : memref<180x56xi32, #tpu.memory_space<vmem>> -> memref<1x56xi32, #tpu.memory_space<vmem>>
      %dma_wait3A_153 = tpu.memref_squeeze %dma_wait3A_152 : memref<1x56xi32, #tpu.memory_space<vmem>> -> memref<56xi32, #tpu.memory_space<vmem>>
      %dma_wait3A_154 = arith.constant 0 : i32
      %dma_wait3A_155 = arith.constant 0 : i32
      %dma_wait3A_156 = tpu.memref_slice %arg7[%dma_wait3A_154, %dma_wait3A_155] : memref<10112x128xf32, #tpu.memory_space<vmem_shared>> -> memref<10112x128xf32, #tpu.memory_space<vmem_shared>>
      tpu.wait_indirect_dma semaphore(%arg19 : memref<!tpu.dma_semaphore, #tpu.memory_space<semaphore_mem>>) src(%arg11 : memref<56x128xf32, #tpu.memory_space<vmem>>) dst(%dma_wait3A_156 : memref<10112x128xf32, #tpu.memory_space<vmem_shared>>)
      %add3A_157 = arith.constant 1 : i32
      %add3A_158 = arith.addi %mul3A_76, %add3A_157 : i32
      %add3A_159 = arith.constant 4 : i32
      %add3A_160 = arith.addi %add3A_158, %add3A_159 : i32
      %lt3A_161 = arith.constant 180 : i32
      %lt3A_162 = arith.cmpi slt, %add3A_160, %lt3A_161 : i32
      %convert_element_type3A_163 = arith.extui %lt3A_162 : i1 to i32
      %cond3A_164 = arith.constant 0 : i32
      %cond3A_165 = arith.cmpi ne, %convert_element_type3A_163, %cond3A_164 : i32
      scf.if %cond3A_165 {
        %add3A_198 = arith.constant 1 : i32
        %add3A_199 = arith.addi %mul3A_76, %add3A_198 : i32
        %add3A_200 = arith.constant 4 : i32
        %add3A_201 = arith.addi %add3A_199, %add3A_200 : i32
        %dma_start3A_202 = arith.constant 0 : i32
        %dma_start3A_203 = tpu.memref_slice %arg8[%add3A_201, %dma_start3A_202] : memref<180x56xi32, #tpu.memory_space<vmem>> -> memref<1x56xi32, #tpu.memory_space<vmem>>
        %dma_start3A_204 = tpu.memref_squeeze %dma_start3A_203 : memref<1x56xi32, #tpu.memory_space<vmem>> -> memref<56xi32, #tpu.memory_space<vmem>>
        %dma_start3A_205 = arith.constant 0 : i32
        %dma_start3A_206 = arith.constant 0 : i32
        %dma_start3A_207 = tpu.memref_slice %arg2[%dma_start3A_205, %dma_start3A_206] : memref<10000x128xf32, #tpu.memory_space<hbm>> -> memref<10000x128xf32, #tpu.memory_space<hbm>>
        tpu.enqueue_indirect_dma source(%dma_start3A_207 : memref<10000x128xf32, #tpu.memory_space<hbm>>) target(%arg11 : memref<56x128xf32, #tpu.memory_space<vmem>>) offsets(%dma_start3A_204 : memref<56xi32, #tpu.memory_space<vmem>>) semaphore(%arg15 : memref<!tpu.dma_semaphore, #tpu.memory_space<semaphore_mem>>)
      } else {
      }
      %dma_wait3A_166 = arith.constant 0 : i32
      %dma_wait3A_167 = arith.constant 0 : i32
      %dma_wait3A_168 = tpu.memref_slice %arg9[%dma_wait3A_166, %dma_wait3A_167] : memref<180x56xi32, #tpu.memory_space<vmem>> -> memref<1x56xi32, #tpu.memory_space<vmem>>
      %dma_wait3A_169 = tpu.memref_squeeze %dma_wait3A_168 : memref<1x56xi32, #tpu.memory_space<vmem>> -> memref<56xi32, #tpu.memory_space<vmem>>
      %dma_wait3A_170 = arith.constant 0 : i32
      %dma_wait3A_171 = arith.constant 0 : i32
      %dma_wait3A_172 = tpu.memref_slice %arg7[%dma_wait3A_170, %dma_wait3A_171] : memref<10112x128xf32, #tpu.memory_space<vmem_shared>> -> memref<10112x128xf32, #tpu.memory_space<vmem_shared>>
      tpu.wait_indirect_dma semaphore(%arg20 : memref<!tpu.dma_semaphore, #tpu.memory_space<semaphore_mem>>) src(%arg12 : memref<56x128xf32, #tpu.memory_space<vmem>>) dst(%dma_wait3A_172 : memref<10112x128xf32, #tpu.memory_space<vmem_shared>>)
      %add3A_173 = arith.constant 2 : i32
      %add3A_174 = arith.addi %mul3A_76, %add3A_173 : i32
      %add3A_175 = arith.constant 4 : i32
      %add3A_176 = arith.addi %add3A_174, %add3A_175 : i32
      %lt3A_177 = arith.constant 180 : i32
      %lt3A_178 = arith.cmpi slt, %add3A_176, %lt3A_177 : i32
      %convert_element_type3A_179 = arith.extui %lt3A_178 : i1 to i32
      %cond3A_180 = arith.constant 0 : i32
      %cond3A_181 = arith.cmpi ne, %convert_element_type3A_179, %cond3A_180 : i32
      scf.if %cond3A_181 {
        %add3A_198 = arith.constant 2 : i32
        %add3A_199 = arith.addi %mul3A_76, %add3A_198 : i32
        %add3A_200 = arith.constant 4 : i32
        %add3A_201 = arith.addi %add3A_199, %add3A_200 : i32
        %dma_start3A_202 = arith.constant 0 : i32
        %dma_start3A_203 = tpu.memref_slice %arg8[%add3A_201, %dma_start3A_202] : memref<180x56xi32, #tpu.memory_space<vmem>> -> memref<1x56xi32, #tpu.memory_space<vmem>>
        %dma_start3A_204 = tpu.memref_squeeze %dma_start3A_203 : memref<1x56xi32, #tpu.memory_space<vmem>> -> memref<56xi32, #tpu.memory_space<vmem>>
        %dma_start3A_205 = arith.constant 0 : i32
        %dma_start3A_206 = arith.constant 0 : i32
        %dma_start3A_207 = tpu.memref_slice %arg2[%dma_start3A_205, %dma_start3A_206] : memref<10000x128xf32, #tpu.memory_space<hbm>> -> memref<10000x128xf32, #tpu.memory_space<hbm>>
        tpu.enqueue_indirect_dma source(%dma_start3A_207 : memref<10000x128xf32, #tpu.memory_space<hbm>>) target(%arg12 : memref<56x128xf32, #tpu.memory_space<vmem>>) offsets(%dma_start3A_204 : memref<56xi32, #tpu.memory_space<vmem>>) semaphore(%arg16 : memref<!tpu.dma_semaphore, #tpu.memory_space<semaphore_mem>>)
      } else {
      }
      %dma_wait3A_182 = arith.constant 0 : i32
      %dma_wait3A_183 = arith.constant 0 : i32
      %dma_wait3A_184 = tpu.memref_slice %arg9[%dma_wait3A_182, %dma_wait3A_183] : memref<180x56xi32, #tpu.memory_space<vmem>> -> memref<1x56xi32, #tpu.memory_space<vmem>>
      %dma_wait3A_185 = tpu.memref_squeeze %dma_wait3A_184 : memref<1x56xi32, #tpu.memory_space<vmem>> -> memref<56xi32, #tpu.memory_space<vmem>>
      %dma_wait3A_186 = arith.constant 0 : i32
      %dma_wait3A_187 = arith.constant 0 : i32
      %dma_wait3A_188 = tpu.memref_slice %arg7[%dma_wait3A_186, %dma_wait3A_187] : memref<10112x128xf32, #tpu.memory_space<vmem_shared>> -> memref<10112x128xf32, #tpu.memory_space<vmem_shared>>
      tpu.wait_indirect_dma semaphore(%arg21 : memref<!tpu.dma_semaphore, #tpu.memory_space<semaphore_mem>>) src(%arg13 : memref<56x128xf32, #tpu.memory_space<vmem>>) dst(%dma_wait3A_188 : memref<10112x128xf32, #tpu.memory_space<vmem_shared>>)
      %add3A_189 = arith.constant 3 : i32
      %add3A_190 = arith.addi %mul3A_76, %add3A_189 : i32
      %add3A_191 = arith.constant 4 : i32
      %add3A_192 = arith.addi %add3A_190, %add3A_191 : i32
      %lt3A_193 = arith.constant 180 : i32
      %lt3A_194 = arith.cmpi slt, %add3A_192, %lt3A_193 : i32
      %convert_element_type3A_195 = arith.extui %lt3A_194 : i1 to i32
      %cond3A_196 = arith.constant 0 : i32
      %cond3A_197 = arith.cmpi ne, %convert_element_type3A_195, %cond3A_196 : i32
      scf.if %cond3A_197 {
        %add3A_198 = arith.constant 3 : i32
        %add3A_199 = arith.addi %mul3A_76, %add3A_198 : i32
        %add3A_200 = arith.constant 4 : i32
        %add3A_201 = arith.addi %add3A_199, %add3A_200 : i32
        %dma_start3A_202 = arith.constant 0 : i32
        %dma_start3A_203 = tpu.memref_slice %arg8[%add3A_201, %dma_start3A_202] : memref<180x56xi32, #tpu.memory_space<vmem>> -> memref<1x56xi32, #tpu.memory_space<vmem>>
        %dma_start3A_204 = tpu.memref_squeeze %dma_start3A_203 : memref<1x56xi32, #tpu.memory_space<vmem>> -> memref<56xi32, #tpu.memory_space<vmem>>
        %dma_start3A_205 = arith.constant 0 : i32
        %dma_start3A_206 = arith.constant 0 : i32
        %dma_start3A_207 = tpu.memref_slice %arg2[%dma_start3A_205, %dma_start3A_206] : memref<10000x128xf32, #tpu.memory_space<hbm>> -> memref<10000x128xf32, #tpu.memory_space<hbm>>
        tpu.enqueue_indirect_dma source(%dma_start3A_207 : memref<10000x128xf32, #tpu.memory_space<hbm>>) target(%arg13 : memref<56x128xf32, #tpu.memory_space<vmem>>) offsets(%dma_start3A_204 : memref<56xi32, #tpu.memory_space<vmem>>) semaphore(%arg17 : memref<!tpu.dma_semaphore, #tpu.memory_space<semaphore_mem>>)
      } else {
      }
    }
    %scan3A_68 = arith.constant 45 : i32
    %barrier3A_69 = arith.constant 0 : index
    tpu.barrier barrier_id(%barrier3A_69)
    "tpu.region"() ({
      %run_scoped3A = tpu.sem_alloc : memref<!tpu.dma_semaphore, #tpu.memory_space<semaphore_mem>>
      %dma_start3A_70 = arith.constant 0 : i32
      %dma_start3A_71 = arith.constant 0 : i32
      %dma_start3A_72 = tpu.memref_slice %arg6[%arg0, %dma_start3A_70, %dma_start3A_71] : memref<2x10112x128xf32, #tpu.memory_space<hbm>> -> memref<1x10112x128xf32, #tpu.memory_space<hbm>>
      %dma_start3A_73 = tpu.memref_squeeze %dma_start3A_72 : memref<1x10112x128xf32, #tpu.memory_space<hbm>> -> memref<10112x128xf32, #tpu.memory_space<hbm>>
      %dma_start3A_74 = arith.constant 0 : i32
      %dma_start3A_75 = tpu.memref_slice %dma_start3A_73[%mul3A_2, %dma_start3A_74] : memref<10112x128xf32, #tpu.memory_space<hbm>> -> memref<632x128xf32, #tpu.memory_space<hbm>>
      %dma_start3A_76 = arith.constant 0 : i32
      %dma_start3A_77 = tpu.memref_slice %arg7[%mul3A_2, %dma_start3A_76] : memref<10112x128xf32, #tpu.memory_space<vmem_shared>> -> memref<632x128xf32, #tpu.memory_space<vmem_shared>>
      tpu.enqueue_dma source(%dma_start3A_77 : memref<632x128xf32, #tpu.memory_space<vmem_shared>>) target(%dma_start3A_75 : memref<632x128xf32, #tpu.memory_space<hbm>>) target_semaphore(%run_scoped3A : memref<!tpu.dma_semaphore, #tpu.memory_space<semaphore_mem>>)
      %dma_wait3A_78 = arith.constant 0 : i32
      %dma_wait3A_79 = arith.constant 0 : i32
      %dma_wait3A_80 = tpu.memref_slice %arg6[%arg0, %dma_wait3A_78, %dma_wait3A_79] : memref<2x10112x128xf32, #tpu.memory_space<hbm>> -> memref<1x10112x128xf32, #tpu.memory_space<hbm>>
      %dma_wait3A_81 = tpu.memref_squeeze %dma_wait3A_80 : memref<1x10112x128xf32, #tpu.memory_space<hbm>> -> memref<10112x128xf32, #tpu.memory_space<hbm>>
      %dma_wait3A_82 = arith.constant 0 : i32
      %dma_wait3A_83 = tpu.memref_slice %dma_wait3A_81[%mul3A_2, %dma_wait3A_82] : memref<10112x128xf32, #tpu.memory_space<hbm>> -> memref<632x128xf32, #tpu.memory_space<hbm>>
      %dma_wait3A_84 = arith.constant 0 : i32
      %dma_wait3A_85 = tpu.memref_slice %arg7[%mul3A_2, %dma_wait3A_84] : memref<10112x128xf32, #tpu.memory_space<vmem_shared>> -> memref<632x128xf32, #tpu.memory_space<vmem_shared>>
      tpu.wait_dma2 semaphore(%run_scoped3A : memref<!tpu.dma_semaphore, #tpu.memory_space<semaphore_mem>>) src(%dma_wait3A_85 : memref<632x128xf32, #tpu.memory_space<vmem_shared>>) dst(%dma_wait3A_83 : memref<632x128xf32, #tpu.memory_space<hbm>>)
      tpu.yield
    }) : () -> ()
    return
  }
}

#map = affine_map<(d0, d1) -> (0, 0)>
#map1 = affine_map<(d0, d1) -> (0, 0, 0)>
module attributes {stable_mosaic.version = 14 : i64} {
  func.func @sc_agg(%arg0: i32, %arg1: i32, %arg2: memref<10000x128xf32, #tpu.memory_space<hbm>>, %arg3: memref<32x180x56xi32, #tpu.memory_space<hbm>>, %arg4: memref<32x180x56xi32, #tpu.memory_space<hbm>>, %arg5: memref<632x128xf32, #tpu.memory_space<hbm>>, %arg6: memref<2x10112x128xf32, #tpu.memory_space<hbm>>, %arg7: memref<10112x128xf32, #tpu.memory_space<vmem_shared>>, %arg8: memref<180x56xi32, #tpu.memory_space<vmem>>, %arg9: memref<180x56xi32, #tpu.memory_space<vmem>>, %arg10: memref<56x128xf32, #tpu.memory_space<vmem>>, %arg11: memref<56x128xf32, #tpu.memory_space<vmem>>, %arg12: memref<56x128xf32, #tpu.memory_space<vmem>>, %arg13: memref<56x128xf32, #tpu.memory_space<vmem>>, %arg14: memref<!tpu.dma_semaphore, #tpu.memory_space<semaphore_mem>>, %arg15: memref<!tpu.dma_semaphore, #tpu.memory_space<semaphore_mem>>, %arg16: memref<!tpu.dma_semaphore, #tpu.memory_space<semaphore_mem>>, %arg17: memref<!tpu.dma_semaphore, #tpu.memory_space<semaphore_mem>>, %arg18: memref<!tpu.dma_semaphore, #tpu.memory_space<semaphore_mem>>, %arg19: memref<!tpu.dma_semaphore, #tpu.memory_space<semaphore_mem>>, %arg20: memref<!tpu.dma_semaphore, #tpu.memory_space<semaphore_mem>>, %arg21: memref<!tpu.dma_semaphore, #tpu.memory_space<semaphore_mem>>) attributes {dimension_semantics = [#tpu.dimension_semantics<core_parallel>, #tpu.dimension_semantics<subcore_parallel>], iteration_bounds = array<i64: 2, 16>, scalar_prefetch = 0 : i64, scratch_operands = 15 : i64, tpu.core_type = #tpu.core_type<sc_vector_subcore>, window_params = [{transform_indices = #map}, {transform_indices = #map1}, {transform_indices = #map1}, {transform_indices = #map}, {transform_indices = #map1}]} {
    %mul3A = arith.constant 16 : i32
    %mul3A_0 = arith.muli %arg0, %mul3A : i32
    %add3A = arith.addi %mul3A_0, %arg1 : i32
    %mul3A_1 = arith.constant 632 : i32
    %mul3A_2 = arith.muli %arg1, %mul3A_1 : i32
    %dma_start3A = arith.constant 0 : i32
    %dma_start3A_3 = tpu.memref_slice %arg7[%mul3A_2, %dma_start3A] : memref<10112x128xf32, #tpu.memory_space<vmem_shared>> -> memref<632x128xf32, #tpu.memory_space<vmem_shared>>
    tpu.enqueue_dma source(%arg5 : memref<632x128xf32, #tpu.memory_space<hbm>>) target(%dma_start3A_3 : memref<632x128xf32, #tpu.memory_space<vmem_shared>>) target_semaphore(%arg14 : memref<!tpu.dma_semaphore, #tpu.memory_space<semaphore_mem>>)
    %dma_start3A_4 = arith.constant 0 : i32
    %dma_start3A_5 = arith.constant 0 : i32
    %dma_start3A_6 = tpu.memref_slice %arg3[%add3A, %dma_start3A_4, %dma_start3A_5] : memref<32x180x56xi32, #tpu.memory_space<hbm>> -> memref<1x180x56xi32, #tpu.memory_space<hbm>>
    %dma_start3A_7 = tpu.memref_squeeze %dma_start3A_6 : memref<1x180x56xi32, #tpu.memory_space<hbm>> -> memref<180x56xi32, #tpu.memory_space<hbm>>
    %dma_start3A_8 = arith.constant 0 : i32
    %dma_start3A_9 = arith.constant 0 : i32
    %dma_start3A_10 = tpu.memref_slice %arg3[%add3A, %dma_start3A_8, %dma_start3A_9] : memref<32x180x56xi32, #tpu.memory_space<hbm>> -> memref<1x180x56xi32, #tpu.memory_space<hbm>>
    %dma_start3A_11 = tpu.memref_squeeze %dma_start3A_10 : memref<1x180x56xi32, #tpu.memory_space<hbm>> -> memref<180x56xi32, #tpu.memory_space<hbm>>
    tpu.enqueue_dma source(%dma_start3A_11 : memref<180x56xi32, #tpu.memory_space<hbm>>) target(%arg8 : memref<180x56xi32, #tpu.memory_space<vmem>>) target_semaphore(%arg15 : memref<!tpu.dma_semaphore, #tpu.memory_space<semaphore_mem>>)
    %dma_start3A_12 = arith.constant 0 : i32
    %dma_start3A_13 = arith.constant 0 : i32
    %dma_start3A_14 = tpu.memref_slice %arg4[%add3A, %dma_start3A_12, %dma_start3A_13] : memref<32x180x56xi32, #tpu.memory_space<hbm>> -> memref<1x180x56xi32, #tpu.memory_space<hbm>>
    %dma_start3A_15 = tpu.memref_squeeze %dma_start3A_14 : memref<1x180x56xi32, #tpu.memory_space<hbm>> -> memref<180x56xi32, #tpu.memory_space<hbm>>
    %dma_start3A_16 = arith.constant 0 : i32
    %dma_start3A_17 = arith.constant 0 : i32
    %dma_start3A_18 = tpu.memref_slice %arg4[%add3A, %dma_start3A_16, %dma_start3A_17] : memref<32x180x56xi32, #tpu.memory_space<hbm>> -> memref<1x180x56xi32, #tpu.memory_space<hbm>>
    %dma_start3A_19 = tpu.memref_squeeze %dma_start3A_18 : memref<1x180x56xi32, #tpu.memory_space<hbm>> -> memref<180x56xi32, #tpu.memory_space<hbm>>
    tpu.enqueue_dma source(%dma_start3A_19 : memref<180x56xi32, #tpu.memory_space<hbm>>) target(%arg9 : memref<180x56xi32, #tpu.memory_space<vmem>>) target_semaphore(%arg16 : memref<!tpu.dma_semaphore, #tpu.memory_space<semaphore_mem>>)
    %dma_wait3A = arith.constant 0 : i32
    %dma_wait3A_20 = tpu.memref_slice %arg7[%mul3A_2, %dma_wait3A] : memref<10112x128xf32, #tpu.memory_space<vmem_shared>> -> memref<632x128xf32, #tpu.memory_space<vmem_shared>>
    tpu.wait_dma2 semaphore(%arg14 : memref<!tpu.dma_semaphore, #tpu.memory_space<semaphore_mem>>) src(%arg5 : memref<632x128xf32, #tpu.memory_space<hbm>>) dst(%dma_wait3A_20 : memref<632x128xf32, #tpu.memory_space<vmem_shared>>)
    %dma_wait3A_21 = arith.constant 0 : i32
    %dma_wait3A_22 = arith.constant 0 : i32
    %dma_wait3A_23 = tpu.memref_slice %arg3[%add3A, %dma_wait3A_21, %dma_wait3A_22] : memref<32x180x56xi32, #tpu.memory_space<hbm>> -> memref<1x180x56xi32, #tpu.memory_space<hbm>>
    %dma_wait3A_24 = tpu.memref_squeeze %dma_wait3A_23 : memref<1x180x56xi32, #tpu.memory_space<hbm>> -> memref<180x56xi32, #tpu.memory_space<hbm>>
    %dma_wait3A_25 = arith.constant 0 : i32
    %dma_wait3A_26 = arith.constant 0 : i32
    %dma_wait3A_27 = tpu.memref_slice %arg3[%add3A, %dma_wait3A_25, %dma_wait3A_26] : memref<32x180x56xi32, #tpu.memory_space<hbm>> -> memref<1x180x56xi32, #tpu.memory_space<hbm>>
    %dma_wait3A_28 = tpu.memref_squeeze %dma_wait3A_27 : memref<1x180x56xi32, #tpu.memory_space<hbm>> -> memref<180x56xi32, #tpu.memory_space<hbm>>
    tpu.wait_dma2 semaphore(%arg15 : memref<!tpu.dma_semaphore, #tpu.memory_space<semaphore_mem>>) src(%dma_wait3A_28 : memref<180x56xi32, #tpu.memory_space<hbm>>) dst(%arg8 : memref<180x56xi32, #tpu.memory_space<vmem>>)
    %dma_wait3A_29 = arith.constant 0 : i32
    %dma_wait3A_30 = arith.constant 0 : i32
    %dma_wait3A_31 = tpu.memref_slice %arg4[%add3A, %dma_wait3A_29, %dma_wait3A_30] : memref<32x180x56xi32, #tpu.memory_space<hbm>> -> memref<1x180x56xi32, #tpu.memory_space<hbm>>
    %dma_wait3A_32 = tpu.memref_squeeze %dma_wait3A_31 : memref<1x180x56xi32, #tpu.memory_space<hbm>> -> memref<180x56xi32, #tpu.memory_space<hbm>>
    %dma_wait3A_33 = arith.constant 0 : i32
    %dma_wait3A_34 = arith.constant 0 : i32
    %dma_wait3A_35 = tpu.memref_slice %arg4[%add3A, %dma_wait3A_33, %dma_wait3A_34] : memref<32x180x56xi32, #tpu.memory_space<hbm>> -> memref<1x180x56xi32, #tpu.memory_space<hbm>>
    %dma_wait3A_36 = tpu.memref_squeeze %dma_wait3A_35 : memref<1x180x56xi32, #tpu.memory_space<hbm>> -> memref<180x56xi32, #tpu.memory_space<hbm>>
    tpu.wait_dma2 semaphore(%arg16 : memref<!tpu.dma_semaphore, #tpu.memory_space<semaphore_mem>>) src(%dma_wait3A_36 : memref<180x56xi32, #tpu.memory_space<hbm>>) dst(%arg9 : memref<180x56xi32, #tpu.memory_space<vmem>>)
    %barrier3A = arith.constant 0 : index
    tpu.barrier barrier_id(%barrier3A)
    %dma_start3A_37 = arith.constant 0 : i32
    %dma_start3A_38 = arith.constant 0 : i32
    %dma_start3A_39 = tpu.memref_slice %arg8[%dma_start3A_37, %dma_start3A_38] : memref<180x56xi32, #tpu.memory_space<vmem>> -> memref<1x56xi32, #tpu.memory_space<vmem>>
    %dma_start3A_40 = tpu.memref_squeeze %dma_start3A_39 : memref<1x56xi32, #tpu.memory_space<vmem>> -> memref<56xi32, #tpu.memory_space<vmem>>
    %dma_start3A_41 = arith.constant 0 : i32
    %dma_start3A_42 = arith.constant 0 : i32
    %dma_start3A_43 = tpu.memref_slice %arg2[%dma_start3A_41, %dma_start3A_42] : memref<10000x128xf32, #tpu.memory_space<hbm>> -> memref<10000x128xf32, #tpu.memory_space<hbm>>
    tpu.enqueue_indirect_dma source(%dma_start3A_43 : memref<10000x128xf32, #tpu.memory_space<hbm>>) target(%arg10 : memref<56x128xf32, #tpu.memory_space<vmem>>) offsets(%dma_start3A_40 : memref<56xi32, #tpu.memory_space<vmem>>) semaphore(%arg14 : memref<!tpu.dma_semaphore, #tpu.memory_space<semaphore_mem>>)
    %dma_start3A_44 = arith.constant 1 : i32
    %dma_start3A_45 = arith.constant 0 : i32
    %dma_start3A_46 = tpu.memref_slice %arg8[%dma_start3A_44, %dma_start3A_45] : memref<180x56xi32, #tpu.memory_space<vmem>> -> memref<1x56xi32, #tpu.memory_space<vmem>>
    %dma_start3A_47 = tpu.memref_squeeze %dma_start3A_46 : memref<1x56xi32, #tpu.memory_space<vmem>> -> memref<56xi32, #tpu.memory_space<vmem>>
    %dma_start3A_48 = arith.constant 0 : i32
    %dma_start3A_49 = arith.constant 0 : i32
    %dma_start3A_50 = tpu.memref_slice %arg2[%dma_start3A_48, %dma_start3A_49] : memref<10000x128xf32, #tpu.memory_space<hbm>> -> memref<10000x128xf32, #tpu.memory_space<hbm>>
    tpu.enqueue_indirect_dma source(%dma_start3A_50 : memref<10000x128xf32, #tpu.memory_space<hbm>>) target(%arg11 : memref<56x128xf32, #tpu.memory_space<vmem>>) offsets(%dma_start3A_47 : memref<56xi32, #tpu.memory_space<vmem>>) semaphore(%arg15 : memref<!tpu.dma_semaphore, #tpu.memory_space<semaphore_mem>>)
    %dma_start3A_51 = arith.constant 2 : i32
    %dma_start3A_52 = arith.constant 0 : i32
    %dma_start3A_53 = tpu.memref_slice %arg8[%dma_start3A_51, %dma_start3A_52] : memref<180x56xi32, #tpu.memory_space<vmem>> -> memref<1x56xi32, #tpu.memory_space<vmem>>
    %dma_start3A_54 = tpu.memref_squeeze %dma_start3A_53 : memref<1x56xi32, #tpu.memory_space<vmem>> -> memref<56xi32, #tpu.memory_space<vmem>>
    %dma_start3A_55 = arith.constant 0 : i32
    %dma_start3A_56 = arith.constant 0 : i32
    %dma_start3A_57 = tpu.memref_slice %arg2[%dma_start3A_55, %dma_start3A_56] : memref<10000x128xf32, #tpu.memory_space<hbm>> -> memref<10000x128xf32, #tpu.memory_space<hbm>>
    tpu.enqueue_indirect_dma source(%dma_start3A_57 : memref<10000x128xf32, #tpu.memory_space<hbm>>) target(%arg12 : memref<56x128xf32, #tpu.memory_space<vmem>>) offsets(%dma_start3A_54 : memref<56xi32, #tpu.memory_space<vmem>>) semaphore(%arg16 : memref<!tpu.dma_semaphore, #tpu.memory_space<semaphore_mem>>)
    %dma_start3A_58 = arith.constant 3 : i32
    %dma_start3A_59 = arith.constant 0 : i32
    %dma_start3A_60 = tpu.memref_slice %arg8[%dma_start3A_58, %dma_start3A_59] : memref<180x56xi32, #tpu.memory_space<vmem>> -> memref<1x56xi32, #tpu.memory_space<vmem>>
    %dma_start3A_61 = tpu.memref_squeeze %dma_start3A_60 : memref<1x56xi32, #tpu.memory_space<vmem>> -> memref<56xi32, #tpu.memory_space<vmem>>
    %dma_start3A_62 = arith.constant 0 : i32
    %dma_start3A_63 = arith.constant 0 : i32
    %dma_start3A_64 = tpu.memref_slice %arg2[%dma_start3A_62, %dma_start3A_63] : memref<10000x128xf32, #tpu.memory_space<hbm>> -> memref<10000x128xf32, #tpu.memory_space<hbm>>
    tpu.enqueue_indirect_dma source(%dma_start3A_64 : memref<10000x128xf32, #tpu.memory_space<hbm>>) target(%arg13 : memref<56x128xf32, #tpu.memory_space<vmem>>) offsets(%dma_start3A_61 : memref<56xi32, #tpu.memory_space<vmem>>) semaphore(%arg17 : memref<!tpu.dma_semaphore, #tpu.memory_space<semaphore_mem>>)
    %scan3A = arith.constant 0 : i32
    %scan3A_65 = arith.constant 45 : i32
    %scan3A_66 = arith.addi %scan3A, %scan3A_65 : i32
    %scan3A_67 = arith.constant 1 : i32
    scf.for %scan3A_70 = %scan3A to %scan3A_66 step %scan3A_67  : i32 {
      %mul3A_71 = arith.constant 1 : i32
      %mul3A_72 = arith.muli %scan3A_70, %mul3A_71 : i32
      %add3A_73 = arith.constant 0 : i32
      %add3A_74 = arith.addi %add3A_73, %mul3A_72 : i32
      %mul3A_75 = arith.constant 4 : i32
      %mul3A_76 = arith.muli %mul3A_75, %add3A_74 : i32
      %dma_wait3A_77 = arith.constant 0 : i32
      %dma_wait3A_78 = arith.constant 0 : i32
      %dma_wait3A_79 = tpu.memref_slice %arg8[%dma_wait3A_77, %dma_wait3A_78] : memref<180x56xi32, #tpu.memory_space<vmem>> -> memref<1x56xi32, #tpu.memory_space<vmem>>
      %dma_wait3A_80 = tpu.memref_squeeze %dma_wait3A_79 : memref<1x56xi32, #tpu.memory_space<vmem>> -> memref<56xi32, #tpu.memory_space<vmem>>
      %dma_wait3A_81 = arith.constant 0 : i32
      %dma_wait3A_82 = arith.constant 0 : i32
      %dma_wait3A_83 = tpu.memref_slice %arg2[%dma_wait3A_81, %dma_wait3A_82] : memref<10000x128xf32, #tpu.memory_space<hbm>> -> memref<10000x128xf32, #tpu.memory_space<hbm>>
      tpu.wait_indirect_dma semaphore(%arg14 : memref<!tpu.dma_semaphore, #tpu.memory_space<semaphore_mem>>) src(%dma_wait3A_83 : memref<10000x128xf32, #tpu.memory_space<hbm>>) dst(%arg10 : memref<56x128xf32, #tpu.memory_space<vmem>>)
      %add3A_84 = arith.constant 0 : i32
      %add3A_85 = arith.addi %mul3A_76, %add3A_84 : i32
      %dma_start3A_86 = arith.constant 0 : i32
      %dma_start3A_87 = tpu.memref_slice %arg9[%add3A_85, %dma_start3A_86] : memref<180x56xi32, #tpu.memory_space<vmem>> -> memref<1x56xi32, #tpu.memory_space<vmem>>
      %dma_start3A_88 = tpu.memref_squeeze %dma_start3A_87 : memref<1x56xi32, #tpu.memory_space<vmem>> -> memref<56xi32, #tpu.memory_space<vmem>>
      %dma_start3A_89 = arith.constant 0 : i32
      %dma_start3A_90 = arith.constant 0 : i32
      %dma_start3A_91 = tpu.memref_slice %arg7[%dma_start3A_89, %dma_start3A_90] : memref<10112x128xf32, #tpu.memory_space<vmem_shared>> -> memref<10112x128xf32, #tpu.memory_space<vmem_shared>>
      tpu.enqueue_indirect_dma source(%arg10 : memref<56x128xf32, #tpu.memory_space<vmem>>) target(%dma_start3A_91 : memref<10112x128xf32, #tpu.memory_space<vmem_shared>>) offsets(%dma_start3A_88 : memref<56xi32, #tpu.memory_space<vmem>>) semaphore(%arg18 : memref<!tpu.dma_semaphore, #tpu.memory_space<semaphore_mem>>) {add = true}
      %dma_wait3A_92 = arith.constant 0 : i32
      %dma_wait3A_93 = arith.constant 0 : i32
      %dma_wait3A_94 = tpu.memref_slice %arg8[%dma_wait3A_92, %dma_wait3A_93] : memref<180x56xi32, #tpu.memory_space<vmem>> -> memref<1x56xi32, #tpu.memory_space<vmem>>
      %dma_wait3A_95 = tpu.memref_squeeze %dma_wait3A_94 : memref<1x56xi32, #tpu.memory_space<vmem>> -> memref<56xi32, #tpu.memory_space<vmem>>
      %dma_wait3A_96 = arith.constant 0 : i32
      %dma_wait3A_97 = arith.constant 0 : i32
      %dma_wait3A_98 = tpu.memref_slice %arg2[%dma_wait3A_96, %dma_wait3A_97] : memref<10000x128xf32, #tpu.memory_space<hbm>> -> memref<10000x128xf32, #tpu.memory_space<hbm>>
      tpu.wait_indirect_dma semaphore(%arg15 : memref<!tpu.dma_semaphore, #tpu.memory_space<semaphore_mem>>) src(%dma_wait3A_98 : memref<10000x128xf32, #tpu.memory_space<hbm>>) dst(%arg11 : memref<56x128xf32, #tpu.memory_space<vmem>>)
      %add3A_99 = arith.constant 1 : i32
      %add3A_100 = arith.addi %mul3A_76, %add3A_99 : i32
      %dma_start3A_101 = arith.constant 0 : i32
      %dma_start3A_102 = tpu.memref_slice %arg9[%add3A_100, %dma_start3A_101] : memref<180x56xi32, #tpu.memory_space<vmem>> -> memref<1x56xi32, #tpu.memory_space<vmem>>
      %dma_start3A_103 = tpu.memref_squeeze %dma_start3A_102 : memref<1x56xi32, #tpu.memory_space<vmem>> -> memref<56xi32, #tpu.memory_space<vmem>>
      %dma_start3A_104 = arith.constant 0 : i32
      %dma_start3A_105 = arith.constant 0 : i32
      %dma_start3A_106 = tpu.memref_slice %arg7[%dma_start3A_104, %dma_start3A_105] : memref<10112x128xf32, #tpu.memory_space<vmem_shared>> -> memref<10112x128xf32, #tpu.memory_space<vmem_shared>>
      tpu.enqueue_indirect_dma source(%arg11 : memref<56x128xf32, #tpu.memory_space<vmem>>) target(%dma_start3A_106 : memref<10112x128xf32, #tpu.memory_space<vmem_shared>>) offsets(%dma_start3A_103 : memref<56xi32, #tpu.memory_space<vmem>>) semaphore(%arg19 : memref<!tpu.dma_semaphore, #tpu.memory_space<semaphore_mem>>) {add = true}
      %dma_wait3A_107 = arith.constant 0 : i32
      %dma_wait3A_108 = arith.constant 0 : i32
      %dma_wait3A_109 = tpu.memref_slice %arg8[%dma_wait3A_107, %dma_wait3A_108] : memref<180x56xi32, #tpu.memory_space<vmem>> -> memref<1x56xi32, #tpu.memory_space<vmem>>
      %dma_wait3A_110 = tpu.memref_squeeze %dma_wait3A_109 : memref<1x56xi32, #tpu.memory_space<vmem>> -> memref<56xi32, #tpu.memory_space<vmem>>
      %dma_wait3A_111 = arith.constant 0 : i32
      %dma_wait3A_112 = arith.constant 0 : i32
      %dma_wait3A_113 = tpu.memref_slice %arg2[%dma_wait3A_111, %dma_wait3A_112] : memref<10000x128xf32, #tpu.memory_space<hbm>> -> memref<10000x128xf32, #tpu.memory_space<hbm>>
      tpu.wait_indirect_dma semaphore(%arg16 : memref<!tpu.dma_semaphore, #tpu.memory_space<semaphore_mem>>) src(%dma_wait3A_113 : memref<10000x128xf32, #tpu.memory_space<hbm>>) dst(%arg12 : memref<56x128xf32, #tpu.memory_space<vmem>>)
      %add3A_114 = arith.constant 2 : i32
      %add3A_115 = arith.addi %mul3A_76, %add3A_114 : i32
      %dma_start3A_116 = arith.constant 0 : i32
      %dma_start3A_117 = tpu.memref_slice %arg9[%add3A_115, %dma_start3A_116] : memref<180x56xi32, #tpu.memory_space<vmem>> -> memref<1x56xi32, #tpu.memory_space<vmem>>
      %dma_start3A_118 = tpu.memref_squeeze %dma_start3A_117 : memref<1x56xi32, #tpu.memory_space<vmem>> -> memref<56xi32, #tpu.memory_space<vmem>>
      %dma_start3A_119 = arith.constant 0 : i32
      %dma_start3A_120 = arith.constant 0 : i32
      %dma_start3A_121 = tpu.memref_slice %arg7[%dma_start3A_119, %dma_start3A_120] : memref<10112x128xf32, #tpu.memory_space<vmem_shared>> -> memref<10112x128xf32, #tpu.memory_space<vmem_shared>>
      tpu.enqueue_indirect_dma source(%arg12 : memref<56x128xf32, #tpu.memory_space<vmem>>) target(%dma_start3A_121 : memref<10112x128xf32, #tpu.memory_space<vmem_shared>>) offsets(%dma_start3A_118 : memref<56xi32, #tpu.memory_space<vmem>>) semaphore(%arg20 : memref<!tpu.dma_semaphore, #tpu.memory_space<semaphore_mem>>) {add = true}
      %dma_wait3A_122 = arith.constant 0 : i32
      %dma_wait3A_123 = arith.constant 0 : i32
      %dma_wait3A_124 = tpu.memref_slice %arg8[%dma_wait3A_122, %dma_wait3A_123] : memref<180x56xi32, #tpu.memory_space<vmem>> -> memref<1x56xi32, #tpu.memory_space<vmem>>
      %dma_wait3A_125 = tpu.memref_squeeze %dma_wait3A_124 : memref<1x56xi32, #tpu.memory_space<vmem>> -> memref<56xi32, #tpu.memory_space<vmem>>
      %dma_wait3A_126 = arith.constant 0 : i32
      %dma_wait3A_127 = arith.constant 0 : i32
      %dma_wait3A_128 = tpu.memref_slice %arg2[%dma_wait3A_126, %dma_wait3A_127] : memref<10000x128xf32, #tpu.memory_space<hbm>> -> memref<10000x128xf32, #tpu.memory_space<hbm>>
      tpu.wait_indirect_dma semaphore(%arg17 : memref<!tpu.dma_semaphore, #tpu.memory_space<semaphore_mem>>) src(%dma_wait3A_128 : memref<10000x128xf32, #tpu.memory_space<hbm>>) dst(%arg13 : memref<56x128xf32, #tpu.memory_space<vmem>>)
      %add3A_129 = arith.constant 3 : i32
      %add3A_130 = arith.addi %mul3A_76, %add3A_129 : i32
      %dma_start3A_131 = arith.constant 0 : i32
      %dma_start3A_132 = tpu.memref_slice %arg9[%add3A_130, %dma_start3A_131] : memref<180x56xi32, #tpu.memory_space<vmem>> -> memref<1x56xi32, #tpu.memory_space<vmem>>
      %dma_start3A_133 = tpu.memref_squeeze %dma_start3A_132 : memref<1x56xi32, #tpu.memory_space<vmem>> -> memref<56xi32, #tpu.memory_space<vmem>>
      %dma_start3A_134 = arith.constant 0 : i32
      %dma_start3A_135 = arith.constant 0 : i32
      %dma_start3A_136 = tpu.memref_slice %arg7[%dma_start3A_134, %dma_start3A_135] : memref<10112x128xf32, #tpu.memory_space<vmem_shared>> -> memref<10112x128xf32, #tpu.memory_space<vmem_shared>>
      tpu.enqueue_indirect_dma source(%arg13 : memref<56x128xf32, #tpu.memory_space<vmem>>) target(%dma_start3A_136 : memref<10112x128xf32, #tpu.memory_space<vmem_shared>>) offsets(%dma_start3A_133 : memref<56xi32, #tpu.memory_space<vmem>>) semaphore(%arg21 : memref<!tpu.dma_semaphore, #tpu.memory_space<semaphore_mem>>) {add = true}
      %dma_wait3A_137 = arith.constant 0 : i32
      %dma_wait3A_138 = arith.constant 0 : i32
      %dma_wait3A_139 = tpu.memref_slice %arg9[%dma_wait3A_137, %dma_wait3A_138] : memref<180x56xi32, #tpu.memory_space<vmem>> -> memref<1x56xi32, #tpu.memory_space<vmem>>
      %dma_wait3A_140 = tpu.memref_squeeze %dma_wait3A_139 : memref<1x56xi32, #tpu.memory_space<vmem>> -> memref<56xi32, #tpu.memory_space<vmem>>
      %dma_wait3A_141 = arith.constant 0 : i32
      %dma_wait3A_142 = arith.constant 0 : i32
      %dma_wait3A_143 = tpu.memref_slice %arg7[%dma_wait3A_141, %dma_wait3A_142] : memref<10112x128xf32, #tpu.memory_space<vmem_shared>> -> memref<10112x128xf32, #tpu.memory_space<vmem_shared>>
      tpu.wait_indirect_dma semaphore(%arg18 : memref<!tpu.dma_semaphore, #tpu.memory_space<semaphore_mem>>) src(%arg10 : memref<56x128xf32, #tpu.memory_space<vmem>>) dst(%dma_wait3A_143 : memref<10112x128xf32, #tpu.memory_space<vmem_shared>>)
      %add3A_144 = arith.constant 0 : i32
      %add3A_145 = arith.addi %mul3A_76, %add3A_144 : i32
      %add3A_146 = arith.constant 4 : i32
      %add3A_147 = arith.addi %add3A_145, %add3A_146 : i32
      %lt3A = arith.constant 180 : i32
      %lt3A_148 = arith.cmpi slt, %add3A_147, %lt3A : i32
      %convert_element_type3A = arith.extui %lt3A_148 : i1 to i32
      %cond3A = arith.constant 0 : i32
      %cond3A_149 = arith.cmpi ne, %convert_element_type3A, %cond3A : i32
      scf.if %cond3A_149 {
        %add3A_198 = arith.constant 0 : i32
        %add3A_199 = arith.addi %mul3A_76, %add3A_198 : i32
        %add3A_200 = arith.constant 4 : i32
        %add3A_201 = arith.addi %add3A_199, %add3A_200 : i32
        %dma_start3A_202 = arith.constant 0 : i32
        %dma_start3A_203 = tpu.memref_slice %arg8[%add3A_201, %dma_start3A_202] : memref<180x56xi32, #tpu.memory_space<vmem>> -> memref<1x56xi32, #tpu.memory_space<vmem>>
        %dma_start3A_204 = tpu.memref_squeeze %dma_start3A_203 : memref<1x56xi32, #tpu.memory_space<vmem>> -> memref<56xi32, #tpu.memory_space<vmem>>
        %dma_start3A_205 = arith.constant 0 : i32
        %dma_start3A_206 = arith.constant 0 : i32
        %dma_start3A_207 = tpu.memref_slice %arg2[%dma_start3A_205, %dma_start3A_206] : memref<10000x128xf32, #tpu.memory_space<hbm>> -> memref<10000x128xf32, #tpu.memory_space<hbm>>
        tpu.enqueue_indirect_dma source(%dma_start3A_207 : memref<10000x128xf32, #tpu.memory_space<hbm>>) target(%arg10 : memref<56x128xf32, #tpu.memory_space<vmem>>) offsets(%dma_start3A_204 : memref<56xi32, #tpu.memory_space<vmem>>) semaphore(%arg14 : memref<!tpu.dma_semaphore, #tpu.memory_space<semaphore_mem>>)
      } else {
      }
      %dma_wait3A_150 = arith.constant 0 : i32
      %dma_wait3A_151 = arith.constant 0 : i32
      %dma_wait3A_152 = tpu.memref_slice %arg9[%dma_wait3A_150, %dma_wait3A_151] : memref<180x56xi32, #tpu.memory_space<vmem>> -> memref<1x56xi32, #tpu.memory_space<vmem>>
      %dma_wait3A_153 = tpu.memref_squeeze %dma_wait3A_152 : memref<1x56xi32, #tpu.memory_space<vmem>> -> memref<56xi32, #tpu.memory_space<vmem>>
      %dma_wait3A_154 = arith.constant 0 : i32
      %dma_wait3A_155 = arith.constant 0 : i32
      %dma_wait3A_156 = tpu.memref_slice %arg7[%dma_wait3A_154, %dma_wait3A_155] : memref<10112x128xf32, #tpu.memory_space<vmem_shared>> -> memref<10112x128xf32, #tpu.memory_space<vmem_shared>>
      tpu.wait_indirect_dma semaphore(%arg19 : memref<!tpu.dma_semaphore, #tpu.memory_space<semaphore_mem>>) src(%arg11 : memref<56x128xf32, #tpu.memory_space<vmem>>) dst(%dma_wait3A_156 : memref<10112x128xf32, #tpu.memory_space<vmem_shared>>)
      %add3A_157 = arith.constant 1 : i32
      %add3A_158 = arith.addi %mul3A_76, %add3A_157 : i32
      %add3A_159 = arith.constant 4 : i32
      %add3A_160 = arith.addi %add3A_158, %add3A_159 : i32
      %lt3A_161 = arith.constant 180 : i32
      %lt3A_162 = arith.cmpi slt, %add3A_160, %lt3A_161 : i32
      %convert_element_type3A_163 = arith.extui %lt3A_162 : i1 to i32
      %cond3A_164 = arith.constant 0 : i32
      %cond3A_165 = arith.cmpi ne, %convert_element_type3A_163, %cond3A_164 : i32
      scf.if %cond3A_165 {
        %add3A_198 = arith.constant 1 : i32
        %add3A_199 = arith.addi %mul3A_76, %add3A_198 : i32
        %add3A_200 = arith.constant 4 : i32
        %add3A_201 = arith.addi %add3A_199, %add3A_200 : i32
        %dma_start3A_202 = arith.constant 0 : i32
        %dma_start3A_203 = tpu.memref_slice %arg8[%add3A_201, %dma_start3A_202] : memref<180x56xi32, #tpu.memory_space<vmem>> -> memref<1x56xi32, #tpu.memory_space<vmem>>
        %dma_start3A_204 = tpu.memref_squeeze %dma_start3A_203 : memref<1x56xi32, #tpu.memory_space<vmem>> -> memref<56xi32, #tpu.memory_space<vmem>>
        %dma_start3A_205 = arith.constant 0 : i32
        %dma_start3A_206 = arith.constant 0 : i32
        %dma_start3A_207 = tpu.memref_slice %arg2[%dma_start3A_205, %dma_start3A_206] : memref<10000x128xf32, #tpu.memory_space<hbm>> -> memref<10000x128xf32, #tpu.memory_space<hbm>>
        tpu.enqueue_indirect_dma source(%dma_start3A_207 : memref<10000x128xf32, #tpu.memory_space<hbm>>) target(%arg11 : memref<56x128xf32, #tpu.memory_space<vmem>>) offsets(%dma_start3A_204 : memref<56xi32, #tpu.memory_space<vmem>>) semaphore(%arg15 : memref<!tpu.dma_semaphore, #tpu.memory_space<semaphore_mem>>)
      } else {
      }
      %dma_wait3A_166 = arith.constant 0 : i32
      %dma_wait3A_167 = arith.constant 0 : i32
      %dma_wait3A_168 = tpu.memref_slice %arg9[%dma_wait3A_166, %dma_wait3A_167] : memref<180x56xi32, #tpu.memory_space<vmem>> -> memref<1x56xi32, #tpu.memory_space<vmem>>
      %dma_wait3A_169 = tpu.memref_squeeze %dma_wait3A_168 : memref<1x56xi32, #tpu.memory_space<vmem>> -> memref<56xi32, #tpu.memory_space<vmem>>
      %dma_wait3A_170 = arith.constant 0 : i32
      %dma_wait3A_171 = arith.constant 0 : i32
      %dma_wait3A_172 = tpu.memref_slice %arg7[%dma_wait3A_170, %dma_wait3A_171] : memref<10112x128xf32, #tpu.memory_space<vmem_shared>> -> memref<10112x128xf32, #tpu.memory_space<vmem_shared>>
      tpu.wait_indirect_dma semaphore(%arg20 : memref<!tpu.dma_semaphore, #tpu.memory_space<semaphore_mem>>) src(%arg12 : memref<56x128xf32, #tpu.memory_space<vmem>>) dst(%dma_wait3A_172 : memref<10112x128xf32, #tpu.memory_space<vmem_shared>>)
      %add3A_173 = arith.constant 2 : i32
      %add3A_174 = arith.addi %mul3A_76, %add3A_173 : i32
      %add3A_175 = arith.constant 4 : i32
      %add3A_176 = arith.addi %add3A_174, %add3A_175 : i32
      %lt3A_177 = arith.constant 180 : i32
      %lt3A_178 = arith.cmpi slt, %add3A_176, %lt3A_177 : i32
      %convert_element_type3A_179 = arith.extui %lt3A_178 : i1 to i32
      %cond3A_180 = arith.constant 0 : i32
      %cond3A_181 = arith.cmpi ne, %convert_element_type3A_179, %cond3A_180 : i32
      scf.if %cond3A_181 {
        %add3A_198 = arith.constant 2 : i32
        %add3A_199 = arith.addi %mul3A_76, %add3A_198 : i32
        %add3A_200 = arith.constant 4 : i32
        %add3A_201 = arith.addi %add3A_199, %add3A_200 : i32
        %dma_start3A_202 = arith.constant 0 : i32
        %dma_start3A_203 = tpu.memref_slice %arg8[%add3A_201, %dma_start3A_202] : memref<180x56xi32, #tpu.memory_space<vmem>> -> memref<1x56xi32, #tpu.memory_space<vmem>>
        %dma_start3A_204 = tpu.memref_squeeze %dma_start3A_203 : memref<1x56xi32, #tpu.memory_space<vmem>> -> memref<56xi32, #tpu.memory_space<vmem>>
        %dma_start3A_205 = arith.constant 0 : i32
        %dma_start3A_206 = arith.constant 0 : i32
        %dma_start3A_207 = tpu.memref_slice %arg2[%dma_start3A_205, %dma_start3A_206] : memref<10000x128xf32, #tpu.memory_space<hbm>> -> memref<10000x128xf32, #tpu.memory_space<hbm>>
        tpu.enqueue_indirect_dma source(%dma_start3A_207 : memref<10000x128xf32, #tpu.memory_space<hbm>>) target(%arg12 : memref<56x128xf32, #tpu.memory_space<vmem>>) offsets(%dma_start3A_204 : memref<56xi32, #tpu.memory_space<vmem>>) semaphore(%arg16 : memref<!tpu.dma_semaphore, #tpu.memory_space<semaphore_mem>>)
      } else {
      }
      %dma_wait3A_182 = arith.constant 0 : i32
      %dma_wait3A_183 = arith.constant 0 : i32
      %dma_wait3A_184 = tpu.memref_slice %arg9[%dma_wait3A_182, %dma_wait3A_183] : memref<180x56xi32, #tpu.memory_space<vmem>> -> memref<1x56xi32, #tpu.memory_space<vmem>>
      %dma_wait3A_185 = tpu.memref_squeeze %dma_wait3A_184 : memref<1x56xi32, #tpu.memory_space<vmem>> -> memref<56xi32, #tpu.memory_space<vmem>>
      %dma_wait3A_186 = arith.constant 0 : i32
      %dma_wait3A_187 = arith.constant 0 : i32
      %dma_wait3A_188 = tpu.memref_slice %arg7[%dma_wait3A_186, %dma_wait3A_187] : memref<10112x128xf32, #tpu.memory_space<vmem_shared>> -> memref<10112x128xf32, #tpu.memory_space<vmem_shared>>
      tpu.wait_indirect_dma semaphore(%arg21 : memref<!tpu.dma_semaphore, #tpu.memory_space<semaphore_mem>>) src(%arg13 : memref<56x128xf32, #tpu.memory_space<vmem>>) dst(%dma_wait3A_188 : memref<10112x128xf32, #tpu.memory_space<vmem_shared>>)
      %add3A_189 = arith.constant 3 : i32
      %add3A_190 = arith.addi %mul3A_76, %add3A_189 : i32
      %add3A_191 = arith.constant 4 : i32
      %add3A_192 = arith.addi %add3A_190, %add3A_191 : i32
      %lt3A_193 = arith.constant 180 : i32
      %lt3A_194 = arith.cmpi slt, %add3A_192, %lt3A_193 : i32
      %convert_element_type3A_195 = arith.extui %lt3A_194 : i1 to i32
      %cond3A_196 = arith.constant 0 : i32
      %cond3A_197 = arith.cmpi ne, %convert_element_type3A_195, %cond3A_196 : i32
      scf.if %cond3A_197 {
        %add3A_198 = arith.constant 3 : i32
        %add3A_199 = arith.addi %mul3A_76, %add3A_198 : i32
        %add3A_200 = arith.constant 4 : i32
        %add3A_201 = arith.addi %add3A_199, %add3A_200 : i32
        %dma_start3A_202 = arith.constant 0 : i32
        %dma_start3A_203 = tpu.memref_slice %arg8[%add3A_201, %dma_start3A_202] : memref<180x56xi32, #tpu.memory_space<vmem>> -> memref<1x56xi32, #tpu.memory_space<vmem>>
        %dma_start3A_204 = tpu.memref_squeeze %dma_start3A_203 : memref<1x56xi32, #tpu.memory_space<vmem>> -> memref<56xi32, #tpu.memory_space<vmem>>
        %dma_start3A_205 = arith.constant 0 : i32
        %dma_start3A_206 = arith.constant 0 : i32
        %dma_start3A_207 = tpu.memref_slice %arg2[%dma_start3A_205, %dma_start3A_206] : memref<10000x128xf32, #tpu.memory_space<hbm>> -> memref<10000x128xf32, #tpu.memory_space<hbm>>
        tpu.enqueue_indirect_dma source(%dma_start3A_207 : memref<10000x128xf32, #tpu.memory_space<hbm>>) target(%arg13 : memref<56x128xf32, #tpu.memory_space<vmem>>) offsets(%dma_start3A_204 : memref<56xi32, #tpu.memory_space<vmem>>) semaphore(%arg17 : memref<!tpu.dma_semaphore, #tpu.memory_space<semaphore_mem>>)
      } else {
      }
    }
    %scan3A_68 = arith.constant 45 : i32
    %barrier3A_69 = arith.constant 0 : index
    tpu.barrier barrier_id(%barrier3A_69)
    "tpu.region"() ({
      %run_scoped3A = tpu.sem_alloc : memref<!tpu.dma_semaphore, #tpu.memory_space<semaphore_mem>>
      %dma_start3A_70 = arith.constant 0 : i32
      %dma_start3A_71 = arith.constant 0 : i32
      %dma_start3A_72 = tpu.memref_slice %arg6[%arg0, %dma_start3A_70, %dma_start3A_71] : memref<2x10112x128xf32, #tpu.memory_space<hbm>> -> memref<1x10112x128xf32, #tpu.memory_space<hbm>>
      %dma_start3A_73 = tpu.memref_squeeze %dma_start3A_72 : memref<1x10112x128xf32, #tpu.memory_space<hbm>> -> memref<10112x128xf32, #tpu.memory_space<hbm>>
      %dma_start3A_74 = arith.constant 0 : i32
      %dma_start3A_75 = tpu.memref_slice %dma_start3A_73[%mul3A_2, %dma_start3A_74] : memref<10112x128xf32, #tpu.memory_space<hbm>> -> memref<632x128xf32, #tpu.memory_space<hbm>>
      %dma_start3A_76 = arith.constant 0 : i32
      %dma_start3A_77 = tpu.memref_slice %arg7[%mul3A_2, %dma_start3A_76] : memref<10112x128xf32, #tpu.memory_space<vmem_shared>> -> memref<632x128xf32, #tpu.memory_space<vmem_shared>>
      tpu.enqueue_dma source(%dma_start3A_77 : memref<632x128xf32, #tpu.memory_space<vmem_shared>>) target(%dma_start3A_75 : memref<632x128xf32, #tpu.memory_space<hbm>>) target_semaphore(%run_scoped3A : memref<!tpu.dma_semaphore, #tpu.memory_space<semaphore_mem>>)
      %dma_wait3A_78 = arith.constant 0 : i32
      %dma_wait3A_79 = arith.constant 0 : i32
      %dma_wait3A_80 = tpu.memref_slice %arg6[%arg0, %dma_wait3A_78, %dma_wait3A_79] : memref<2x10112x128xf32, #tpu.memory_space<hbm>> -> memref<1x10112x128xf32, #tpu.memory_space<hbm>>
      %dma_wait3A_81 = tpu.memref_squeeze %dma_wait3A_80 : memref<1x10112x128xf32, #tpu.memory_space<hbm>> -> memref<10112x128xf32, #tpu.memory_space<hbm>>
      %dma_wait3A_82 = arith.constant 0 : i32
      %dma_wait3A_83 = tpu.memref_slice %dma_wait3A_81[%mul3A_2, %dma_wait3A_82] : memref<10112x128xf32, #tpu.memory_space<hbm>> -> memref<632x128xf32, #tpu.memory_space<hbm>>
      %dma_wait3A_84 = arith.constant 0 : i32
      %dma_wait3A_85 = tpu.memref_slice %arg7[%mul3A_2, %dma_wait3A_84] : memref<10112x128xf32, #tpu.memory_space<vmem_shared>> -> memref<632x128xf32, #tpu.memory_space<vmem_shared>>
      tpu.wait_dma2 semaphore(%run_scoped3A : memref<!tpu.dma_semaphore, #tpu.memory_space<semaphore_mem>>) src(%dma_wait3A_85 : memref<632x128xf32, #tpu.memory_space<vmem_shared>>) dst(%dma_wait3A_83 : memref<632x128xf32, #tpu.memory_space<hbm>>)
      tpu.yield
    }) : () -> ()
    return
  }
}

#map = affine_map<(d0, d1) -> (0, 0)>
#map1 = affine_map<(d0, d1) -> (0, 0, 0)>
module attributes {stable_mosaic.version = 14 : i64} {
  func.func @sc_agg(%arg0: i32, %arg1: i32, %arg2: memref<10000x128xf32, #tpu.memory_space<hbm>>, %arg3: memref<32x180x56xi32, #tpu.memory_space<hbm>>, %arg4: memref<32x180x56xi32, #tpu.memory_space<hbm>>, %arg5: memref<632x128xf32, #tpu.memory_space<hbm>>, %arg6: memref<632x16xbf16, #tpu.memory_space<hbm>>, %arg7: memref<56x16xbf16, #tpu.memory_space<hbm>>, %arg8: memref<2x10112x128xf32, #tpu.memory_space<hbm>>, %arg9: memref<2x10112x16xbf16, #tpu.memory_space<hbm>>, %arg10: memref<10112x128xf32, #tpu.memory_space<vmem_shared>>, %arg11: memref<180x56xi32, #tpu.memory_space<vmem>>, %arg12: memref<180x56xi32, #tpu.memory_space<vmem>>, %arg13: memref<56x128xf32, #tpu.memory_space<vmem>>, %arg14: memref<56x128xf32, #tpu.memory_space<vmem>>, %arg15: memref<56x128xf32, #tpu.memory_space<vmem>>, %arg16: memref<!tpu.dma_semaphore, #tpu.memory_space<semaphore_mem>>, %arg17: memref<!tpu.dma_semaphore, #tpu.memory_space<semaphore_mem>>, %arg18: memref<!tpu.dma_semaphore, #tpu.memory_space<semaphore_mem>>, %arg19: memref<!tpu.dma_semaphore, #tpu.memory_space<semaphore_mem>>, %arg20: memref<!tpu.dma_semaphore, #tpu.memory_space<semaphore_mem>>, %arg21: memref<!tpu.dma_semaphore, #tpu.memory_space<semaphore_mem>>, %arg22: memref<10112x16xbf16, #tpu.memory_space<vmem_shared>>, %arg23: memref<56x16xbf16, #tpu.memory_space<vmem>>, %arg24: memref<!tpu.dma_semaphore, #tpu.memory_space<semaphore_mem>>) attributes {dimension_semantics = [#tpu.dimension_semantics<core_parallel>, #tpu.dimension_semantics<subcore_parallel>], iteration_bounds = array<i64: 2, 16>, scalar_prefetch = 0 : i64, scratch_operands = 15 : i64, tpu.core_type = #tpu.core_type<sc_vector_subcore>, window_params = [{transform_indices = #map}, {transform_indices = #map1}, {transform_indices = #map1}, {transform_indices = #map}, {transform_indices = #map}, {transform_indices = #map}, {transform_indices = #map1}, {transform_indices = #map1}]} {
    %mul3A = arith.constant 16 : i32
    %mul3A_0 = arith.muli %arg0, %mul3A : i32
    %add3A = arith.addi %mul3A_0, %arg1 : i32
    %mul3A_1 = arith.constant 632 : i32
    %mul3A_2 = arith.muli %arg1, %mul3A_1 : i32
    %dma_start3A = arith.constant 0 : i32
    %dma_start3A_3 = tpu.memref_slice %arg10[%mul3A_2, %dma_start3A] : memref<10112x128xf32, #tpu.memory_space<vmem_shared>> -> memref<632x128xf32, #tpu.memory_space<vmem_shared>>
    tpu.enqueue_dma source(%arg5 : memref<632x128xf32, #tpu.memory_space<hbm>>) target(%dma_start3A_3 : memref<632x128xf32, #tpu.memory_space<vmem_shared>>) target_semaphore(%arg16 : memref<!tpu.dma_semaphore, #tpu.memory_space<semaphore_mem>>)
    %dma_start3A_4 = arith.constant 0 : i32
    %dma_start3A_5 = arith.constant 0 : i32
    %dma_start3A_6 = tpu.memref_slice %arg3[%add3A, %dma_start3A_4, %dma_start3A_5] : memref<32x180x56xi32, #tpu.memory_space<hbm>> -> memref<1x180x56xi32, #tpu.memory_space<hbm>>
    %dma_start3A_7 = tpu.memref_squeeze %dma_start3A_6 : memref<1x180x56xi32, #tpu.memory_space<hbm>> -> memref<180x56xi32, #tpu.memory_space<hbm>>
    %dma_start3A_8 = arith.constant 0 : i32
    %dma_start3A_9 = arith.constant 0 : i32
    %dma_start3A_10 = tpu.memref_slice %arg3[%add3A, %dma_start3A_8, %dma_start3A_9] : memref<32x180x56xi32, #tpu.memory_space<hbm>> -> memref<1x180x56xi32, #tpu.memory_space<hbm>>
    %dma_start3A_11 = tpu.memref_squeeze %dma_start3A_10 : memref<1x180x56xi32, #tpu.memory_space<hbm>> -> memref<180x56xi32, #tpu.memory_space<hbm>>
    tpu.enqueue_dma source(%dma_start3A_11 : memref<180x56xi32, #tpu.memory_space<hbm>>) target(%arg11 : memref<180x56xi32, #tpu.memory_space<vmem>>) target_semaphore(%arg17 : memref<!tpu.dma_semaphore, #tpu.memory_space<semaphore_mem>>)
    %dma_start3A_12 = arith.constant 0 : i32
    %dma_start3A_13 = arith.constant 0 : i32
    %dma_start3A_14 = tpu.memref_slice %arg4[%add3A, %dma_start3A_12, %dma_start3A_13] : memref<32x180x56xi32, #tpu.memory_space<hbm>> -> memref<1x180x56xi32, #tpu.memory_space<hbm>>
    %dma_start3A_15 = tpu.memref_squeeze %dma_start3A_14 : memref<1x180x56xi32, #tpu.memory_space<hbm>> -> memref<180x56xi32, #tpu.memory_space<hbm>>
    %dma_start3A_16 = arith.constant 0 : i32
    %dma_start3A_17 = arith.constant 0 : i32
    %dma_start3A_18 = tpu.memref_slice %arg4[%add3A, %dma_start3A_16, %dma_start3A_17] : memref<32x180x56xi32, #tpu.memory_space<hbm>> -> memref<1x180x56xi32, #tpu.memory_space<hbm>>
    %dma_start3A_19 = tpu.memref_squeeze %dma_start3A_18 : memref<1x180x56xi32, #tpu.memory_space<hbm>> -> memref<180x56xi32, #tpu.memory_space<hbm>>
    tpu.enqueue_dma source(%dma_start3A_19 : memref<180x56xi32, #tpu.memory_space<hbm>>) target(%arg12 : memref<180x56xi32, #tpu.memory_space<vmem>>) target_semaphore(%arg18 : memref<!tpu.dma_semaphore, #tpu.memory_space<semaphore_mem>>)
    %dma_start3A_20 = arith.constant 0 : i32
    %dma_start3A_21 = tpu.memref_slice %arg22[%mul3A_2, %dma_start3A_20] : memref<10112x16xbf16, #tpu.memory_space<vmem_shared>> -> memref<632x16xbf16, #tpu.memory_space<vmem_shared>>
    tpu.enqueue_dma source(%arg6 : memref<632x16xbf16, #tpu.memory_space<hbm>>) target(%dma_start3A_21 : memref<632x16xbf16, #tpu.memory_space<vmem_shared>>) target_semaphore(%arg24 : memref<!tpu.dma_semaphore, #tpu.memory_space<semaphore_mem>>)
    tpu.enqueue_dma source(%arg7 : memref<56x16xbf16, #tpu.memory_space<hbm>>) target(%arg23 : memref<56x16xbf16, #tpu.memory_space<vmem>>) target_semaphore(%arg19 : memref<!tpu.dma_semaphore, #tpu.memory_space<semaphore_mem>>)
    %dma_wait3A = arith.constant 0 : i32
    %dma_wait3A_22 = tpu.memref_slice %arg10[%mul3A_2, %dma_wait3A] : memref<10112x128xf32, #tpu.memory_space<vmem_shared>> -> memref<632x128xf32, #tpu.memory_space<vmem_shared>>
    tpu.wait_dma2 semaphore(%arg16 : memref<!tpu.dma_semaphore, #tpu.memory_space<semaphore_mem>>) src(%arg5 : memref<632x128xf32, #tpu.memory_space<hbm>>) dst(%dma_wait3A_22 : memref<632x128xf32, #tpu.memory_space<vmem_shared>>)
    %dma_wait3A_23 = arith.constant 0 : i32
    %dma_wait3A_24 = arith.constant 0 : i32
    %dma_wait3A_25 = tpu.memref_slice %arg3[%add3A, %dma_wait3A_23, %dma_wait3A_24] : memref<32x180x56xi32, #tpu.memory_space<hbm>> -> memref<1x180x56xi32, #tpu.memory_space<hbm>>
    %dma_wait3A_26 = tpu.memref_squeeze %dma_wait3A_25 : memref<1x180x56xi32, #tpu.memory_space<hbm>> -> memref<180x56xi32, #tpu.memory_space<hbm>>
    %dma_wait3A_27 = arith.constant 0 : i32
    %dma_wait3A_28 = arith.constant 0 : i32
    %dma_wait3A_29 = tpu.memref_slice %arg3[%add3A, %dma_wait3A_27, %dma_wait3A_28] : memref<32x180x56xi32, #tpu.memory_space<hbm>> -> memref<1x180x56xi32, #tpu.memory_space<hbm>>
    %dma_wait3A_30 = tpu.memref_squeeze %dma_wait3A_29 : memref<1x180x56xi32, #tpu.memory_space<hbm>> -> memref<180x56xi32, #tpu.memory_space<hbm>>
    tpu.wait_dma2 semaphore(%arg17 : memref<!tpu.dma_semaphore, #tpu.memory_space<semaphore_mem>>) src(%dma_wait3A_30 : memref<180x56xi32, #tpu.memory_space<hbm>>) dst(%arg11 : memref<180x56xi32, #tpu.memory_space<vmem>>)
    %dma_wait3A_31 = arith.constant 0 : i32
    %dma_wait3A_32 = arith.constant 0 : i32
    %dma_wait3A_33 = tpu.memref_slice %arg4[%add3A, %dma_wait3A_31, %dma_wait3A_32] : memref<32x180x56xi32, #tpu.memory_space<hbm>> -> memref<1x180x56xi32, #tpu.memory_space<hbm>>
    %dma_wait3A_34 = tpu.memref_squeeze %dma_wait3A_33 : memref<1x180x56xi32, #tpu.memory_space<hbm>> -> memref<180x56xi32, #tpu.memory_space<hbm>>
    %dma_wait3A_35 = arith.constant 0 : i32
    %dma_wait3A_36 = arith.constant 0 : i32
    %dma_wait3A_37 = tpu.memref_slice %arg4[%add3A, %dma_wait3A_35, %dma_wait3A_36] : memref<32x180x56xi32, #tpu.memory_space<hbm>> -> memref<1x180x56xi32, #tpu.memory_space<hbm>>
    %dma_wait3A_38 = tpu.memref_squeeze %dma_wait3A_37 : memref<1x180x56xi32, #tpu.memory_space<hbm>> -> memref<180x56xi32, #tpu.memory_space<hbm>>
    tpu.wait_dma2 semaphore(%arg18 : memref<!tpu.dma_semaphore, #tpu.memory_space<semaphore_mem>>) src(%dma_wait3A_38 : memref<180x56xi32, #tpu.memory_space<hbm>>) dst(%arg12 : memref<180x56xi32, #tpu.memory_space<vmem>>)
    %dma_wait3A_39 = arith.constant 0 : i32
    %dma_wait3A_40 = tpu.memref_slice %arg22[%mul3A_2, %dma_wait3A_39] : memref<10112x16xbf16, #tpu.memory_space<vmem_shared>> -> memref<632x16xbf16, #tpu.memory_space<vmem_shared>>
    tpu.wait_dma2 semaphore(%arg24 : memref<!tpu.dma_semaphore, #tpu.memory_space<semaphore_mem>>) src(%arg6 : memref<632x16xbf16, #tpu.memory_space<hbm>>) dst(%dma_wait3A_40 : memref<632x16xbf16, #tpu.memory_space<vmem_shared>>)
    tpu.wait_dma2 semaphore(%arg19 : memref<!tpu.dma_semaphore, #tpu.memory_space<semaphore_mem>>) src(%arg7 : memref<56x16xbf16, #tpu.memory_space<hbm>>) dst(%arg23 : memref<56x16xbf16, #tpu.memory_space<vmem>>)
    %barrier3A = arith.constant 0 : index
    tpu.barrier barrier_id(%barrier3A)
    %dma_start3A_41 = arith.constant 0 : i32
    %dma_start3A_42 = arith.constant 0 : i32
    %dma_start3A_43 = tpu.memref_slice %arg11[%dma_start3A_41, %dma_start3A_42] : memref<180x56xi32, #tpu.memory_space<vmem>> -> memref<1x56xi32, #tpu.memory_space<vmem>>
    %dma_start3A_44 = tpu.memref_squeeze %dma_start3A_43 : memref<1x56xi32, #tpu.memory_space<vmem>> -> memref<56xi32, #tpu.memory_space<vmem>>
    %dma_start3A_45 = arith.constant 0 : i32
    %dma_start3A_46 = arith.constant 0 : i32
    %dma_start3A_47 = tpu.memref_slice %arg2[%dma_start3A_45, %dma_start3A_46] : memref<10000x128xf32, #tpu.memory_space<hbm>> -> memref<10000x128xf32, #tpu.memory_space<hbm>>
    tpu.enqueue_indirect_dma source(%dma_start3A_47 : memref<10000x128xf32, #tpu.memory_space<hbm>>) target(%arg13 : memref<56x128xf32, #tpu.memory_space<vmem>>) offsets(%dma_start3A_44 : memref<56xi32, #tpu.memory_space<vmem>>) semaphore(%arg16 : memref<!tpu.dma_semaphore, #tpu.memory_space<semaphore_mem>>)
    %dma_start3A_48 = arith.constant 1 : i32
    %dma_start3A_49 = arith.constant 0 : i32
    %dma_start3A_50 = tpu.memref_slice %arg11[%dma_start3A_48, %dma_start3A_49] : memref<180x56xi32, #tpu.memory_space<vmem>> -> memref<1x56xi32, #tpu.memory_space<vmem>>
    %dma_start3A_51 = tpu.memref_squeeze %dma_start3A_50 : memref<1x56xi32, #tpu.memory_space<vmem>> -> memref<56xi32, #tpu.memory_space<vmem>>
    %dma_start3A_52 = arith.constant 0 : i32
    %dma_start3A_53 = arith.constant 0 : i32
    %dma_start3A_54 = tpu.memref_slice %arg2[%dma_start3A_52, %dma_start3A_53] : memref<10000x128xf32, #tpu.memory_space<hbm>> -> memref<10000x128xf32, #tpu.memory_space<hbm>>
    tpu.enqueue_indirect_dma source(%dma_start3A_54 : memref<10000x128xf32, #tpu.memory_space<hbm>>) target(%arg14 : memref<56x128xf32, #tpu.memory_space<vmem>>) offsets(%dma_start3A_51 : memref<56xi32, #tpu.memory_space<vmem>>) semaphore(%arg17 : memref<!tpu.dma_semaphore, #tpu.memory_space<semaphore_mem>>)
    %dma_start3A_55 = arith.constant 2 : i32
    %dma_start3A_56 = arith.constant 0 : i32
    %dma_start3A_57 = tpu.memref_slice %arg11[%dma_start3A_55, %dma_start3A_56] : memref<180x56xi32, #tpu.memory_space<vmem>> -> memref<1x56xi32, #tpu.memory_space<vmem>>
    %dma_start3A_58 = tpu.memref_squeeze %dma_start3A_57 : memref<1x56xi32, #tpu.memory_space<vmem>> -> memref<56xi32, #tpu.memory_space<vmem>>
    %dma_start3A_59 = arith.constant 0 : i32
    %dma_start3A_60 = arith.constant 0 : i32
    %dma_start3A_61 = tpu.memref_slice %arg2[%dma_start3A_59, %dma_start3A_60] : memref<10000x128xf32, #tpu.memory_space<hbm>> -> memref<10000x128xf32, #tpu.memory_space<hbm>>
    tpu.enqueue_indirect_dma source(%dma_start3A_61 : memref<10000x128xf32, #tpu.memory_space<hbm>>) target(%arg15 : memref<56x128xf32, #tpu.memory_space<vmem>>) offsets(%dma_start3A_58 : memref<56xi32, #tpu.memory_space<vmem>>) semaphore(%arg18 : memref<!tpu.dma_semaphore, #tpu.memory_space<semaphore_mem>>)
    %scan3A = arith.constant 0 : i32
    %scan3A_62 = arith.constant 60 : i32
    %scan3A_63 = arith.addi %scan3A, %scan3A_62 : i32
    %scan3A_64 = arith.constant 1 : i32
    scf.for %scan3A_74 = %scan3A to %scan3A_63 step %scan3A_64  : i32 {
      %mul3A_75 = arith.constant 1 : i32
      %mul3A_76 = arith.muli %scan3A_74, %mul3A_75 : i32
      %add3A_77 = arith.constant 0 : i32
      %add3A_78 = arith.addi %add3A_77, %mul3A_76 : i32
      %mul3A_79 = arith.constant 3 : i32
      %mul3A_80 = arith.muli %mul3A_79, %add3A_78 : i32
      %dma_wait3A_81 = arith.constant 0 : i32
      %dma_wait3A_82 = arith.constant 0 : i32
      %dma_wait3A_83 = tpu.memref_slice %arg11[%dma_wait3A_81, %dma_wait3A_82] : memref<180x56xi32, #tpu.memory_space<vmem>> -> memref<1x56xi32, #tpu.memory_space<vmem>>
      %dma_wait3A_84 = tpu.memref_squeeze %dma_wait3A_83 : memref<1x56xi32, #tpu.memory_space<vmem>> -> memref<56xi32, #tpu.memory_space<vmem>>
      %dma_wait3A_85 = arith.constant 0 : i32
      %dma_wait3A_86 = arith.constant 0 : i32
      %dma_wait3A_87 = tpu.memref_slice %arg2[%dma_wait3A_85, %dma_wait3A_86] : memref<10000x128xf32, #tpu.memory_space<hbm>> -> memref<10000x128xf32, #tpu.memory_space<hbm>>
      tpu.wait_indirect_dma semaphore(%arg16 : memref<!tpu.dma_semaphore, #tpu.memory_space<semaphore_mem>>) src(%dma_wait3A_87 : memref<10000x128xf32, #tpu.memory_space<hbm>>) dst(%arg13 : memref<56x128xf32, #tpu.memory_space<vmem>>)
      %add3A_88 = arith.constant 0 : i32
      %add3A_89 = arith.addi %mul3A_80, %add3A_88 : i32
      %dma_start3A_90 = arith.constant 0 : i32
      %dma_start3A_91 = tpu.memref_slice %arg12[%add3A_89, %dma_start3A_90] : memref<180x56xi32, #tpu.memory_space<vmem>> -> memref<1x56xi32, #tpu.memory_space<vmem>>
      %dma_start3A_92 = tpu.memref_squeeze %dma_start3A_91 : memref<1x56xi32, #tpu.memory_space<vmem>> -> memref<56xi32, #tpu.memory_space<vmem>>
      %dma_start3A_93 = arith.constant 0 : i32
      %dma_start3A_94 = arith.constant 0 : i32
      %dma_start3A_95 = tpu.memref_slice %arg10[%dma_start3A_93, %dma_start3A_94] : memref<10112x128xf32, #tpu.memory_space<vmem_shared>> -> memref<10112x128xf32, #tpu.memory_space<vmem_shared>>
      tpu.enqueue_indirect_dma source(%arg13 : memref<56x128xf32, #tpu.memory_space<vmem>>) target(%dma_start3A_95 : memref<10112x128xf32, #tpu.memory_space<vmem_shared>>) offsets(%dma_start3A_92 : memref<56xi32, #tpu.memory_space<vmem>>) semaphore(%arg19 : memref<!tpu.dma_semaphore, #tpu.memory_space<semaphore_mem>>) {add = true}
      %gt3A = arith.constant 0 : i32
      %gt3A_96 = arith.cmpi sgt, %add3A_78, %gt3A : i32
      %convert_element_type3A = arith.extui %gt3A_96 : i1 to i32
      %cond3A = arith.constant 0 : i32
      %cond3A_97 = arith.cmpi ne, %convert_element_type3A, %cond3A : i32
      scf.if %cond3A_97 {
        %dma_wait3A_213 = arith.constant 0 : i32
        %dma_wait3A_214 = arith.constant 0 : i32
        %dma_wait3A_215 = tpu.memref_slice %arg12[%dma_wait3A_213, %dma_wait3A_214] : memref<180x56xi32, #tpu.memory_space<vmem>> -> memref<1x56xi32, #tpu.memory_space<vmem>>
        %dma_wait3A_216 = tpu.memref_squeeze %dma_wait3A_215 : memref<1x56xi32, #tpu.memory_space<vmem>> -> memref<56xi32, #tpu.memory_space<vmem>>
        %dma_wait3A_217 = arith.constant 0 : i32
        %dma_wait3A_218 = arith.constant 0 : i32
        %dma_wait3A_219 = tpu.memref_slice %arg22[%dma_wait3A_217, %dma_wait3A_218] : memref<10112x16xbf16, #tpu.memory_space<vmem_shared>> -> memref<10112x16xbf16, #tpu.memory_space<vmem_shared>>
        tpu.wait_indirect_dma semaphore(%arg24 : memref<!tpu.dma_semaphore, #tpu.memory_space<semaphore_mem>>) src(%arg23 : memref<56x16xbf16, #tpu.memory_space<vmem>>) dst(%dma_wait3A_219 : memref<10112x16xbf16, #tpu.memory_space<vmem_shared>>)
      } else {
      }
      %add3A_98 = arith.constant 0 : i32
      %add3A_99 = arith.addi %mul3A_80, %add3A_98 : i32
      %dma_start3A_100 = arith.constant 0 : i32
      %dma_start3A_101 = tpu.memref_slice %arg12[%add3A_99, %dma_start3A_100] : memref<180x56xi32, #tpu.memory_space<vmem>> -> memref<1x56xi32, #tpu.memory_space<vmem>>
      %dma_start3A_102 = tpu.memref_squeeze %dma_start3A_101 : memref<1x56xi32, #tpu.memory_space<vmem>> -> memref<56xi32, #tpu.memory_space<vmem>>
      %dma_start3A_103 = arith.constant 0 : i32
      %dma_start3A_104 = arith.constant 0 : i32
      %dma_start3A_105 = tpu.memref_slice %arg22[%dma_start3A_103, %dma_start3A_104] : memref<10112x16xbf16, #tpu.memory_space<vmem_shared>> -> memref<10112x16xbf16, #tpu.memory_space<vmem_shared>>
      tpu.enqueue_indirect_dma source(%arg23 : memref<56x16xbf16, #tpu.memory_space<vmem>>) target(%dma_start3A_105 : memref<10112x16xbf16, #tpu.memory_space<vmem_shared>>) offsets(%dma_start3A_102 : memref<56xi32, #tpu.memory_space<vmem>>) semaphore(%arg24 : memref<!tpu.dma_semaphore, #tpu.memory_space<semaphore_mem>>) {add = true}
      %dma_wait3A_106 = arith.constant 0 : i32
      %dma_wait3A_107 = arith.constant 0 : i32
      %dma_wait3A_108 = tpu.memref_slice %arg11[%dma_wait3A_106, %dma_wait3A_107] : memref<180x56xi32, #tpu.memory_space<vmem>> -> memref<1x56xi32, #tpu.memory_space<vmem>>
      %dma_wait3A_109 = tpu.memref_squeeze %dma_wait3A_108 : memref<1x56xi32, #tpu.memory_space<vmem>> -> memref<56xi32, #tpu.memory_space<vmem>>
      %dma_wait3A_110 = arith.constant 0 : i32
      %dma_wait3A_111 = arith.constant 0 : i32
      %dma_wait3A_112 = tpu.memref_slice %arg2[%dma_wait3A_110, %dma_wait3A_111] : memref<10000x128xf32, #tpu.memory_space<hbm>> -> memref<10000x128xf32, #tpu.memory_space<hbm>>
      tpu.wait_indirect_dma semaphore(%arg17 : memref<!tpu.dma_semaphore, #tpu.memory_space<semaphore_mem>>) src(%dma_wait3A_112 : memref<10000x128xf32, #tpu.memory_space<hbm>>) dst(%arg14 : memref<56x128xf32, #tpu.memory_space<vmem>>)
      %add3A_113 = arith.constant 1 : i32
      %add3A_114 = arith.addi %mul3A_80, %add3A_113 : i32
      %dma_start3A_115 = arith.constant 0 : i32
      %dma_start3A_116 = tpu.memref_slice %arg12[%add3A_114, %dma_start3A_115] : memref<180x56xi32, #tpu.memory_space<vmem>> -> memref<1x56xi32, #tpu.memory_space<vmem>>
      %dma_start3A_117 = tpu.memref_squeeze %dma_start3A_116 : memref<1x56xi32, #tpu.memory_space<vmem>> -> memref<56xi32, #tpu.memory_space<vmem>>
      %dma_start3A_118 = arith.constant 0 : i32
      %dma_start3A_119 = arith.constant 0 : i32
      %dma_start3A_120 = tpu.memref_slice %arg10[%dma_start3A_118, %dma_start3A_119] : memref<10112x128xf32, #tpu.memory_space<vmem_shared>> -> memref<10112x128xf32, #tpu.memory_space<vmem_shared>>
      tpu.enqueue_indirect_dma source(%arg14 : memref<56x128xf32, #tpu.memory_space<vmem>>) target(%dma_start3A_120 : memref<10112x128xf32, #tpu.memory_space<vmem_shared>>) offsets(%dma_start3A_117 : memref<56xi32, #tpu.memory_space<vmem>>) semaphore(%arg20 : memref<!tpu.dma_semaphore, #tpu.memory_space<semaphore_mem>>) {add = true}
      %dma_wait3A_121 = arith.constant 0 : i32
      %dma_wait3A_122 = arith.constant 0 : i32
      %dma_wait3A_123 = tpu.memref_slice %arg12[%dma_wait3A_121, %dma_wait3A_122] : memref<180x56xi32, #tpu.memory_space<vmem>> -> memref<1x56xi32, #tpu.memory_space<vmem>>
      %dma_wait3A_124 = tpu.memref_squeeze %dma_wait3A_123 : memref<1x56xi32, #tpu.memory_space<vmem>> -> memref<56xi32, #tpu.memory_space<vmem>>
      %dma_wait3A_125 = arith.constant 0 : i32
      %dma_wait3A_126 = arith.constant 0 : i32
      %dma_wait3A_127 = tpu.memref_slice %arg22[%dma_wait3A_125, %dma_wait3A_126] : memref<10112x16xbf16, #tpu.memory_space<vmem_shared>> -> memref<10112x16xbf16, #tpu.memory_space<vmem_shared>>
      tpu.wait_indirect_dma semaphore(%arg24 : memref<!tpu.dma_semaphore, #tpu.memory_space<semaphore_mem>>) src(%arg23 : memref<56x16xbf16, #tpu.memory_space<vmem>>) dst(%dma_wait3A_127 : memref<10112x16xbf16, #tpu.memory_space<vmem_shared>>)
      %add3A_128 = arith.constant 1 : i32
      %add3A_129 = arith.addi %mul3A_80, %add3A_128 : i32
      %dma_start3A_130 = arith.constant 0 : i32
      %dma_start3A_131 = tpu.memref_slice %arg12[%add3A_129, %dma_start3A_130] : memref<180x56xi32, #tpu.memory_space<vmem>> -> memref<1x56xi32, #tpu.memory_space<vmem>>
      %dma_start3A_132 = tpu.memref_squeeze %dma_start3A_131 : memref<1x56xi32, #tpu.memory_space<vmem>> -> memref<56xi32, #tpu.memory_space<vmem>>
      %dma_start3A_133 = arith.constant 0 : i32
      %dma_start3A_134 = arith.constant 0 : i32
      %dma_start3A_135 = tpu.memref_slice %arg22[%dma_start3A_133, %dma_start3A_134] : memref<10112x16xbf16, #tpu.memory_space<vmem_shared>> -> memref<10112x16xbf16, #tpu.memory_space<vmem_shared>>
      tpu.enqueue_indirect_dma source(%arg23 : memref<56x16xbf16, #tpu.memory_space<vmem>>) target(%dma_start3A_135 : memref<10112x16xbf16, #tpu.memory_space<vmem_shared>>) offsets(%dma_start3A_132 : memref<56xi32, #tpu.memory_space<vmem>>) semaphore(%arg24 : memref<!tpu.dma_semaphore, #tpu.memory_space<semaphore_mem>>) {add = true}
      %dma_wait3A_136 = arith.constant 0 : i32
      %dma_wait3A_137 = arith.constant 0 : i32
      %dma_wait3A_138 = tpu.memref_slice %arg11[%dma_wait3A_136, %dma_wait3A_137] : memref<180x56xi32, #tpu.memory_space<vmem>> -> memref<1x56xi32, #tpu.memory_space<vmem>>
      %dma_wait3A_139 = tpu.memref_squeeze %dma_wait3A_138 : memref<1x56xi32, #tpu.memory_space<vmem>> -> memref<56xi32, #tpu.memory_space<vmem>>
      %dma_wait3A_140 = arith.constant 0 : i32
      %dma_wait3A_141 = arith.constant 0 : i32
      %dma_wait3A_142 = tpu.memref_slice %arg2[%dma_wait3A_140, %dma_wait3A_141] : memref<10000x128xf32, #tpu.memory_space<hbm>> -> memref<10000x128xf32, #tpu.memory_space<hbm>>
      tpu.wait_indirect_dma semaphore(%arg18 : memref<!tpu.dma_semaphore, #tpu.memory_space<semaphore_mem>>) src(%dma_wait3A_142 : memref<10000x128xf32, #tpu.memory_space<hbm>>) dst(%arg15 : memref<56x128xf32, #tpu.memory_space<vmem>>)
      %add3A_143 = arith.constant 2 : i32
      %add3A_144 = arith.addi %mul3A_80, %add3A_143 : i32
      %dma_start3A_145 = arith.constant 0 : i32
      %dma_start3A_146 = tpu.memref_slice %arg12[%add3A_144, %dma_start3A_145] : memref<180x56xi32, #tpu.memory_space<vmem>> -> memref<1x56xi32, #tpu.memory_space<vmem>>
      %dma_start3A_147 = tpu.memref_squeeze %dma_start3A_146 : memref<1x56xi32, #tpu.memory_space<vmem>> -> memref<56xi32, #tpu.memory_space<vmem>>
      %dma_start3A_148 = arith.constant 0 : i32
      %dma_start3A_149 = arith.constant 0 : i32
      %dma_start3A_150 = tpu.memref_slice %arg10[%dma_start3A_148, %dma_start3A_149] : memref<10112x128xf32, #tpu.memory_space<vmem_shared>> -> memref<10112x128xf32, #tpu.memory_space<vmem_shared>>
      tpu.enqueue_indirect_dma source(%arg15 : memref<56x128xf32, #tpu.memory_space<vmem>>) target(%dma_start3A_150 : memref<10112x128xf32, #tpu.memory_space<vmem_shared>>) offsets(%dma_start3A_147 : memref<56xi32, #tpu.memory_space<vmem>>) semaphore(%arg21 : memref<!tpu.dma_semaphore, #tpu.memory_space<semaphore_mem>>) {add = true}
      %dma_wait3A_151 = arith.constant 0 : i32
      %dma_wait3A_152 = arith.constant 0 : i32
      %dma_wait3A_153 = tpu.memref_slice %arg12[%dma_wait3A_151, %dma_wait3A_152] : memref<180x56xi32, #tpu.memory_space<vmem>> -> memref<1x56xi32, #tpu.memory_space<vmem>>
      %dma_wait3A_154 = tpu.memref_squeeze %dma_wait3A_153 : memref<1x56xi32, #tpu.memory_space<vmem>> -> memref<56xi32, #tpu.memory_space<vmem>>
      %dma_wait3A_155 = arith.constant 0 : i32
      %dma_wait3A_156 = arith.constant 0 : i32
      %dma_wait3A_157 = tpu.memref_slice %arg22[%dma_wait3A_155, %dma_wait3A_156] : memref<10112x16xbf16, #tpu.memory_space<vmem_shared>> -> memref<10112x16xbf16, #tpu.memory_space<vmem_shared>>
      tpu.wait_indirect_dma semaphore(%arg24 : memref<!tpu.dma_semaphore, #tpu.memory_space<semaphore_mem>>) src(%arg23 : memref<56x16xbf16, #tpu.memory_space<vmem>>) dst(%dma_wait3A_157 : memref<10112x16xbf16, #tpu.memory_space<vmem_shared>>)
      %add3A_158 = arith.constant 2 : i32
      %add3A_159 = arith.addi %mul3A_80, %add3A_158 : i32
      %dma_start3A_160 = arith.constant 0 : i32
      %dma_start3A_161 = tpu.memref_slice %arg12[%add3A_159, %dma_start3A_160] : memref<180x56xi32, #tpu.memory_space<vmem>> -> memref<1x56xi32, #tpu.memory_space<vmem>>
      %dma_start3A_162 = tpu.memref_squeeze %dma_start3A_161 : memref<1x56xi32, #tpu.memory_space<vmem>> -> memref<56xi32, #tpu.memory_space<vmem>>
      %dma_start3A_163 = arith.constant 0 : i32
      %dma_start3A_164 = arith.constant 0 : i32
      %dma_start3A_165 = tpu.memref_slice %arg22[%dma_start3A_163, %dma_start3A_164] : memref<10112x16xbf16, #tpu.memory_space<vmem_shared>> -> memref<10112x16xbf16, #tpu.memory_space<vmem_shared>>
      tpu.enqueue_indirect_dma source(%arg23 : memref<56x16xbf16, #tpu.memory_space<vmem>>) target(%dma_start3A_165 : memref<10112x16xbf16, #tpu.memory_space<vmem_shared>>) offsets(%dma_start3A_162 : memref<56xi32, #tpu.memory_space<vmem>>) semaphore(%arg24 : memref<!tpu.dma_semaphore, #tpu.memory_space<semaphore_mem>>) {add = true}
      %dma_wait3A_166 = arith.constant 0 : i32
      %dma_wait3A_167 = arith.constant 0 : i32
      %dma_wait3A_168 = tpu.memref_slice %arg12[%dma_wait3A_166, %dma_wait3A_167] : memref<180x56xi32, #tpu.memory_space<vmem>> -> memref<1x56xi32, #tpu.memory_space<vmem>>
      %dma_wait3A_169 = tpu.memref_squeeze %dma_wait3A_168 : memref<1x56xi32, #tpu.memory_space<vmem>> -> memref<56xi32, #tpu.memory_space<vmem>>
      %dma_wait3A_170 = arith.constant 0 : i32
      %dma_wait3A_171 = arith.constant 0 : i32
      %dma_wait3A_172 = tpu.memref_slice %arg10[%dma_wait3A_170, %dma_wait3A_171] : memref<10112x128xf32, #tpu.memory_space<vmem_shared>> -> memref<10112x128xf32, #tpu.memory_space<vmem_shared>>
      tpu.wait_indirect_dma semaphore(%arg19 : memref<!tpu.dma_semaphore, #tpu.memory_space<semaphore_mem>>) src(%arg13 : memref<56x128xf32, #tpu.memory_space<vmem>>) dst(%dma_wait3A_172 : memref<10112x128xf32, #tpu.memory_space<vmem_shared>>)
      %add3A_173 = arith.constant 0 : i32
      %add3A_174 = arith.addi %mul3A_80, %add3A_173 : i32
      %add3A_175 = arith.constant 3 : i32
      %add3A_176 = arith.addi %add3A_174, %add3A_175 : i32
      %lt3A = arith.constant 180 : i32
      %lt3A_177 = arith.cmpi slt, %add3A_176, %lt3A : i32
      %convert_element_type3A_178 = arith.extui %lt3A_177 : i1 to i32
      %cond3A_179 = arith.constant 0 : i32
      %cond3A_180 = arith.cmpi ne, %convert_element_type3A_178, %cond3A_179 : i32
      scf.if %cond3A_180 {
        %add3A_213 = arith.constant 0 : i32
        %add3A_214 = arith.addi %mul3A_80, %add3A_213 : i32
        %add3A_215 = arith.constant 3 : i32
        %add3A_216 = arith.addi %add3A_214, %add3A_215 : i32
        %dma_start3A_217 = arith.constant 0 : i32
        %dma_start3A_218 = tpu.memref_slice %arg11[%add3A_216, %dma_start3A_217] : memref<180x56xi32, #tpu.memory_space<vmem>> -> memref<1x56xi32, #tpu.memory_space<vmem>>
        %dma_start3A_219 = tpu.memref_squeeze %dma_start3A_218 : memref<1x56xi32, #tpu.memory_space<vmem>> -> memref<56xi32, #tpu.memory_space<vmem>>
        %dma_start3A_220 = arith.constant 0 : i32
        %dma_start3A_221 = arith.constant 0 : i32
        %dma_start3A_222 = tpu.memref_slice %arg2[%dma_start3A_220, %dma_start3A_221] : memref<10000x128xf32, #tpu.memory_space<hbm>> -> memref<10000x128xf32, #tpu.memory_space<hbm>>
        tpu.enqueue_indirect_dma source(%dma_start3A_222 : memref<10000x128xf32, #tpu.memory_space<hbm>>) target(%arg13 : memref<56x128xf32, #tpu.memory_space<vmem>>) offsets(%dma_start3A_219 : memref<56xi32, #tpu.memory_space<vmem>>) semaphore(%arg16 : memref<!tpu.dma_semaphore, #tpu.memory_space<semaphore_mem>>)
      } else {
      }
      %dma_wait3A_181 = arith.constant 0 : i32
      %dma_wait3A_182 = arith.constant 0 : i32
      %dma_wait3A_183 = tpu.memref_slice %arg12[%dma_wait3A_181, %dma_wait3A_182] : memref<180x56xi32, #tpu.memory_space<vmem>> -> memref<1x56xi32, #tpu.memory_space<vmem>>
      %dma_wait3A_184 = tpu.memref_squeeze %dma_wait3A_183 : memref<1x56xi32, #tpu.memory_space<vmem>> -> memref<56xi32, #tpu.memory_space<vmem>>
      %dma_wait3A_185 = arith.constant 0 : i32
      %dma_wait3A_186 = arith.constant 0 : i32
      %dma_wait3A_187 = tpu.memref_slice %arg10[%dma_wait3A_185, %dma_wait3A_186] : memref<10112x128xf32, #tpu.memory_space<vmem_shared>> -> memref<10112x128xf32, #tpu.memory_space<vmem_shared>>
      tpu.wait_indirect_dma semaphore(%arg20 : memref<!tpu.dma_semaphore, #tpu.memory_space<semaphore_mem>>) src(%arg14 : memref<56x128xf32, #tpu.memory_space<vmem>>) dst(%dma_wait3A_187 : memref<10112x128xf32, #tpu.memory_space<vmem_shared>>)
      %add3A_188 = arith.constant 1 : i32
      %add3A_189 = arith.addi %mul3A_80, %add3A_188 : i32
      %add3A_190 = arith.constant 3 : i32
      %add3A_191 = arith.addi %add3A_189, %add3A_190 : i32
      %lt3A_192 = arith.constant 180 : i32
      %lt3A_193 = arith.cmpi slt, %add3A_191, %lt3A_192 : i32
      %convert_element_type3A_194 = arith.extui %lt3A_193 : i1 to i32
      %cond3A_195 = arith.constant 0 : i32
      %cond3A_196 = arith.cmpi ne, %convert_element_type3A_194, %cond3A_195 : i32
      scf.if %cond3A_196 {
        %add3A_213 = arith.constant 1 : i32
        %add3A_214 = arith.addi %mul3A_80, %add3A_213 : i32
        %add3A_215 = arith.constant 3 : i32
        %add3A_216 = arith.addi %add3A_214, %add3A_215 : i32
        %dma_start3A_217 = arith.constant 0 : i32
        %dma_start3A_218 = tpu.memref_slice %arg11[%add3A_216, %dma_start3A_217] : memref<180x56xi32, #tpu.memory_space<vmem>> -> memref<1x56xi32, #tpu.memory_space<vmem>>
        %dma_start3A_219 = tpu.memref_squeeze %dma_start3A_218 : memref<1x56xi32, #tpu.memory_space<vmem>> -> memref<56xi32, #tpu.memory_space<vmem>>
        %dma_start3A_220 = arith.constant 0 : i32
        %dma_start3A_221 = arith.constant 0 : i32
        %dma_start3A_222 = tpu.memref_slice %arg2[%dma_start3A_220, %dma_start3A_221] : memref<10000x128xf32, #tpu.memory_space<hbm>> -> memref<10000x128xf32, #tpu.memory_space<hbm>>
        tpu.enqueue_indirect_dma source(%dma_start3A_222 : memref<10000x128xf32, #tpu.memory_space<hbm>>) target(%arg14 : memref<56x128xf32, #tpu.memory_space<vmem>>) offsets(%dma_start3A_219 : memref<56xi32, #tpu.memory_space<vmem>>) semaphore(%arg17 : memref<!tpu.dma_semaphore, #tpu.memory_space<semaphore_mem>>)
      } else {
      }
      %dma_wait3A_197 = arith.constant 0 : i32
      %dma_wait3A_198 = arith.constant 0 : i32
      %dma_wait3A_199 = tpu.memref_slice %arg12[%dma_wait3A_197, %dma_wait3A_198] : memref<180x56xi32, #tpu.memory_space<vmem>> -> memref<1x56xi32, #tpu.memory_space<vmem>>
      %dma_wait3A_200 = tpu.memref_squeeze %dma_wait3A_199 : memref<1x56xi32, #tpu.memory_space<vmem>> -> memref<56xi32, #tpu.memory_space<vmem>>
      %dma_wait3A_201 = arith.constant 0 : i32
      %dma_wait3A_202 = arith.constant 0 : i32
      %dma_wait3A_203 = tpu.memref_slice %arg10[%dma_wait3A_201, %dma_wait3A_202] : memref<10112x128xf32, #tpu.memory_space<vmem_shared>> -> memref<10112x128xf32, #tpu.memory_space<vmem_shared>>
      tpu.wait_indirect_dma semaphore(%arg21 : memref<!tpu.dma_semaphore, #tpu.memory_space<semaphore_mem>>) src(%arg15 : memref<56x128xf32, #tpu.memory_space<vmem>>) dst(%dma_wait3A_203 : memref<10112x128xf32, #tpu.memory_space<vmem_shared>>)
      %add3A_204 = arith.constant 2 : i32
      %add3A_205 = arith.addi %mul3A_80, %add3A_204 : i32
      %add3A_206 = arith.constant 3 : i32
      %add3A_207 = arith.addi %add3A_205, %add3A_206 : i32
      %lt3A_208 = arith.constant 180 : i32
      %lt3A_209 = arith.cmpi slt, %add3A_207, %lt3A_208 : i32
      %convert_element_type3A_210 = arith.extui %lt3A_209 : i1 to i32
      %cond3A_211 = arith.constant 0 : i32
      %cond3A_212 = arith.cmpi ne, %convert_element_type3A_210, %cond3A_211 : i32
      scf.if %cond3A_212 {
        %add3A_213 = arith.constant 2 : i32
        %add3A_214 = arith.addi %mul3A_80, %add3A_213 : i32
        %add3A_215 = arith.constant 3 : i32
        %add3A_216 = arith.addi %add3A_214, %add3A_215 : i32
        %dma_start3A_217 = arith.constant 0 : i32
        %dma_start3A_218 = tpu.memref_slice %arg11[%add3A_216, %dma_start3A_217] : memref<180x56xi32, #tpu.memory_space<vmem>> -> memref<1x56xi32, #tpu.memory_space<vmem>>
        %dma_start3A_219 = tpu.memref_squeeze %dma_start3A_218 : memref<1x56xi32, #tpu.memory_space<vmem>> -> memref<56xi32, #tpu.memory_space<vmem>>
        %dma_start3A_220 = arith.constant 0 : i32
        %dma_start3A_221 = arith.constant 0 : i32
        %dma_start3A_222 = tpu.memref_slice %arg2[%dma_start3A_220, %dma_start3A_221] : memref<10000x128xf32, #tpu.memory_space<hbm>> -> memref<10000x128xf32, #tpu.memory_space<hbm>>
        tpu.enqueue_indirect_dma source(%dma_start3A_222 : memref<10000x128xf32, #tpu.memory_space<hbm>>) target(%arg15 : memref<56x128xf32, #tpu.memory_space<vmem>>) offsets(%dma_start3A_219 : memref<56xi32, #tpu.memory_space<vmem>>) semaphore(%arg18 : memref<!tpu.dma_semaphore, #tpu.memory_space<semaphore_mem>>)
      } else {
      }
    }
    %scan3A_65 = arith.constant 60 : i32
    %dma_wait3A_66 = arith.constant 0 : i32
    %dma_wait3A_67 = arith.constant 0 : i32
    %dma_wait3A_68 = tpu.memref_slice %arg12[%dma_wait3A_66, %dma_wait3A_67] : memref<180x56xi32, #tpu.memory_space<vmem>> -> memref<1x56xi32, #tpu.memory_space<vmem>>
    %dma_wait3A_69 = tpu.memref_squeeze %dma_wait3A_68 : memref<1x56xi32, #tpu.memory_space<vmem>> -> memref<56xi32, #tpu.memory_space<vmem>>
    %dma_wait3A_70 = arith.constant 0 : i32
    %dma_wait3A_71 = arith.constant 0 : i32
    %dma_wait3A_72 = tpu.memref_slice %arg22[%dma_wait3A_70, %dma_wait3A_71] : memref<10112x16xbf16, #tpu.memory_space<vmem_shared>> -> memref<10112x16xbf16, #tpu.memory_space<vmem_shared>>
    tpu.wait_indirect_dma semaphore(%arg24 : memref<!tpu.dma_semaphore, #tpu.memory_space<semaphore_mem>>) src(%arg23 : memref<56x16xbf16, #tpu.memory_space<vmem>>) dst(%dma_wait3A_72 : memref<10112x16xbf16, #tpu.memory_space<vmem_shared>>)
    %barrier3A_73 = arith.constant 0 : index
    tpu.barrier barrier_id(%barrier3A_73)
    "tpu.region"() ({
      %run_scoped3A = tpu.sem_alloc : memref<!tpu.dma_semaphore, #tpu.memory_space<semaphore_mem>>
      %dma_start3A_74 = arith.constant 0 : i32
      %dma_start3A_75 = arith.constant 0 : i32
      %dma_start3A_76 = tpu.memref_slice %arg8[%arg0, %dma_start3A_74, %dma_start3A_75] : memref<2x10112x128xf32, #tpu.memory_space<hbm>> -> memref<1x10112x128xf32, #tpu.memory_space<hbm>>
      %dma_start3A_77 = tpu.memref_squeeze %dma_start3A_76 : memref<1x10112x128xf32, #tpu.memory_space<hbm>> -> memref<10112x128xf32, #tpu.memory_space<hbm>>
      %dma_start3A_78 = arith.constant 0 : i32
      %dma_start3A_79 = tpu.memref_slice %dma_start3A_77[%mul3A_2, %dma_start3A_78] : memref<10112x128xf32, #tpu.memory_space<hbm>> -> memref<632x128xf32, #tpu.memory_space<hbm>>
      %dma_start3A_80 = arith.constant 0 : i32
      %dma_start3A_81 = tpu.memref_slice %arg10[%mul3A_2, %dma_start3A_80] : memref<10112x128xf32, #tpu.memory_space<vmem_shared>> -> memref<632x128xf32, #tpu.memory_space<vmem_shared>>
      tpu.enqueue_dma source(%dma_start3A_81 : memref<632x128xf32, #tpu.memory_space<vmem_shared>>) target(%dma_start3A_79 : memref<632x128xf32, #tpu.memory_space<hbm>>) target_semaphore(%run_scoped3A : memref<!tpu.dma_semaphore, #tpu.memory_space<semaphore_mem>>)
      %dma_wait3A_82 = arith.constant 0 : i32
      %dma_wait3A_83 = arith.constant 0 : i32
      %dma_wait3A_84 = tpu.memref_slice %arg8[%arg0, %dma_wait3A_82, %dma_wait3A_83] : memref<2x10112x128xf32, #tpu.memory_space<hbm>> -> memref<1x10112x128xf32, #tpu.memory_space<hbm>>
      %dma_wait3A_85 = tpu.memref_squeeze %dma_wait3A_84 : memref<1x10112x128xf32, #tpu.memory_space<hbm>> -> memref<10112x128xf32, #tpu.memory_space<hbm>>
      %dma_wait3A_86 = arith.constant 0 : i32
      %dma_wait3A_87 = tpu.memref_slice %dma_wait3A_85[%mul3A_2, %dma_wait3A_86] : memref<10112x128xf32, #tpu.memory_space<hbm>> -> memref<632x128xf32, #tpu.memory_space<hbm>>
      %dma_wait3A_88 = arith.constant 0 : i32
      %dma_wait3A_89 = tpu.memref_slice %arg10[%mul3A_2, %dma_wait3A_88] : memref<10112x128xf32, #tpu.memory_space<vmem_shared>> -> memref<632x128xf32, #tpu.memory_space<vmem_shared>>
      tpu.wait_dma2 semaphore(%run_scoped3A : memref<!tpu.dma_semaphore, #tpu.memory_space<semaphore_mem>>) src(%dma_wait3A_89 : memref<632x128xf32, #tpu.memory_space<vmem_shared>>) dst(%dma_wait3A_87 : memref<632x128xf32, #tpu.memory_space<hbm>>)
      tpu.yield
    }) : () -> ()
    "tpu.region"() ({
      %run_scoped3A = tpu.sem_alloc : memref<!tpu.dma_semaphore, #tpu.memory_space<semaphore_mem>>
      %dma_start3A_74 = arith.constant 0 : i32
      %dma_start3A_75 = arith.constant 0 : i32
      %dma_start3A_76 = tpu.memref_slice %arg9[%arg0, %dma_start3A_74, %dma_start3A_75] : memref<2x10112x16xbf16, #tpu.memory_space<hbm>> -> memref<1x10112x16xbf16, #tpu.memory_space<hbm>>
      %dma_start3A_77 = tpu.memref_squeeze %dma_start3A_76 : memref<1x10112x16xbf16, #tpu.memory_space<hbm>> -> memref<10112x16xbf16, #tpu.memory_space<hbm>>
      %dma_start3A_78 = arith.constant 0 : i32
      %dma_start3A_79 = tpu.memref_slice %dma_start3A_77[%mul3A_2, %dma_start3A_78] : memref<10112x16xbf16, #tpu.memory_space<hbm>> -> memref<632x16xbf16, #tpu.memory_space<hbm>>
      %dma_start3A_80 = arith.constant 0 : i32
      %dma_start3A_81 = tpu.memref_slice %arg22[%mul3A_2, %dma_start3A_80] : memref<10112x16xbf16, #tpu.memory_space<vmem_shared>> -> memref<632x16xbf16, #tpu.memory_space<vmem_shared>>
      tpu.enqueue_dma source(%dma_start3A_81 : memref<632x16xbf16, #tpu.memory_space<vmem_shared>>) target(%dma_start3A_79 : memref<632x16xbf16, #tpu.memory_space<hbm>>) target_semaphore(%run_scoped3A : memref<!tpu.dma_semaphore, #tpu.memory_space<semaphore_mem>>)
      %dma_wait3A_82 = arith.constant 0 : i32
      %dma_wait3A_83 = arith.constant 0 : i32
      %dma_wait3A_84 = tpu.memref_slice %arg9[%arg0, %dma_wait3A_82, %dma_wait3A_83] : memref<2x10112x16xbf16, #tpu.memory_space<hbm>> -> memref<1x10112x16xbf16, #tpu.memory_space<hbm>>
      %dma_wait3A_85 = tpu.memref_squeeze %dma_wait3A_84 : memref<1x10112x16xbf16, #tpu.memory_space<hbm>> -> memref<10112x16xbf16, #tpu.memory_space<hbm>>
      %dma_wait3A_86 = arith.constant 0 : i32
      %dma_wait3A_87 = tpu.memref_slice %dma_wait3A_85[%mul3A_2, %dma_wait3A_86] : memref<10112x16xbf16, #tpu.memory_space<hbm>> -> memref<632x16xbf16, #tpu.memory_space<hbm>>
      %dma_wait3A_88 = arith.constant 0 : i32
      %dma_wait3A_89 = tpu.memref_slice %arg22[%mul3A_2, %dma_wait3A_88] : memref<10112x16xbf16, #tpu.memory_space<vmem_shared>> -> memref<632x16xbf16, #tpu.memory_space<vmem_shared>>
      tpu.wait_dma2 semaphore(%run_scoped3A : memref<!tpu.dma_semaphore, #tpu.memory_space<semaphore_mem>>) src(%dma_wait3A_89 : memref<632x16xbf16, #tpu.memory_space<vmem_shared>>) dst(%dma_wait3A_87 : memref<632x16xbf16, #tpu.memory_space<hbm>>)
      tpu.yield
    }) : () -> ()
    return
  }
}

module attributes {stable_mosaic.version = 14 : i64} {
  func.func @_combine_body(%arg0: i32, %arg1: memref<2x1000x128xf32, #tpu.memory_space<vmem>>, %arg2: memref<2x1000x16xbf16, #tpu.memory_space<vmem>>, %arg3: memref<1000x128xf32, #tpu.memory_space<vmem>>, %arg4: memref<128x128xf32, #tpu.memory_space<vmem>>, %arg5: memref<128x128xf32, #tpu.memory_space<vmem>>, %arg6: memref<1x128xf32, #tpu.memory_space<vmem>>, %arg7: memref<1000x128xf32, #tpu.memory_space<vmem>>) attributes {dimension_semantics = [#tpu.dimension_semantics<arbitrary>], iteration_bounds = array<i64: 10>, scalar_prefetch = 0 : i64, scratch_operands = 0 : i64, tpu.core_type = #tpu.core_type<tc>, window_params = [{transform_indices = @transform_0, window_bounds = array<i64: 2, 1000, 128>}, {transform_indices = @transform_1, window_bounds = array<i64: 2, 1000, 16>}, {transform_indices = @transform_2, window_bounds = array<i64: 1000, 128>}, {pipeline_mode = #tpu.pipeline_mode<synchronous>, transform_indices = @transform_3, window_bounds = array<i64: 128, 128>}, {pipeline_mode = #tpu.pipeline_mode<synchronous>, transform_indices = @transform_4, window_bounds = array<i64: 128, 128>}, {pipeline_mode = #tpu.pipeline_mode<synchronous>, transform_indices = @transform_5, window_bounds = array<i64: 1, 128>}, {transform_indices = @transform_6, window_bounds = array<i64: 1000, 128>}]} {
    %get3A = arith.constant 0 : index
    %get3A_0 = arith.constant 0 : index
    %get3A_1 = arith.constant 0 : index
    %get3A_2 = vector.load %arg1[%get3A, %get3A_0, %get3A_1] : memref<2x1000x128xf32, #tpu.memory_space<vmem>>, vector<1x1000x128xf32>
    %get3A_3 = vector.shape_cast %get3A_2 : vector<1x1000x128xf32> to vector<1000x128xf32>
    %get3A_4 = arith.constant 1 : index
    %get3A_5 = arith.constant 0 : index
    %get3A_6 = arith.constant 0 : index
    %get3A_7 = vector.load %arg1[%get3A_4, %get3A_5, %get3A_6] : memref<2x1000x128xf32, #tpu.memory_space<vmem>>, vector<1x1000x128xf32>
    %get3A_8 = vector.shape_cast %get3A_7 : vector<1x1000x128xf32> to vector<1000x128xf32>
    %add3A = arith.addf %get3A_3, %get3A_8 : vector<1000x128xf32>
    %get3A_9 = arith.constant 0 : index
    %get3A_10 = arith.constant 0 : index
    %get3A_11 = arith.constant 0 : index
    %get3A_12 = vector.load %arg2[%get3A_9, %get3A_10, %get3A_11] : memref<2x1000x16xbf16, #tpu.memory_space<vmem>>, vector<1x1000x1xbf16>
    %get3A_13 = vector.shape_cast %get3A_12 : vector<1x1000x1xbf16> to vector<1000x1xbf16>
    %get3A_14 = arith.constant 1 : index
    %get3A_15 = arith.constant 0 : index
    %get3A_16 = arith.constant 0 : index
    %get3A_17 = vector.load %arg2[%get3A_14, %get3A_15, %get3A_16] : memref<2x1000x16xbf16, #tpu.memory_space<vmem>>, vector<1x1000x1xbf16>
    %get3A_18 = vector.shape_cast %get3A_17 : vector<1x1000x1xbf16> to vector<1000x1xbf16>
    %add3A_19 = arith.addf %get3A_13, %get3A_18 : vector<1000x1xbf16>
    %convert_element_type3A = arith.extf %add3A_19 : vector<1000x1xbf16> to vector<1000x1xf32>
    %max3A = arith.constant 1.000000e+00 : f32
    %max3A_20 = vector.broadcast %max3A : f32 to vector<1000x1xf32>
    %max3A_21 = arith.maximumf %convert_element_type3A, %max3A_20 : vector<1000x1xf32>
    %div3A = vector.broadcast %max3A_21 : vector<1000x1xf32> to vector<1000x128xf32>
    %div3A_22 = arith.divf %add3A, %div3A : vector<1000x128xf32>
    %get3A_23 = arith.constant 0 : index
    %get3A_24 = arith.constant 0 : index
    %get3A_25 = vector.load %arg4[%get3A_23, %get3A_24] : memref<128x128xf32, #tpu.memory_space<vmem>>, vector<128x128xf32>
    %dot_general3A = arith.constant dense<0.000000e+00> : vector<1000x128xf32>
    %dot_general3A_26 = tpu.matmul %div3A_22, %get3A_25, %dot_general3A {dimension_numbers = #tpu.dot_dimension_numbers<[1], [1], [0], [0], [0, 0, 1, 0], [], []>, precision = #tpu.contract_precision<fp32>, transpose_lhs_hint = false} : vector<1000x128xf32>, vector<128x128xf32>, vector<1000x128xf32> -> vector<1000x128xf32>
    %get3A_27 = arith.constant 0 : index
    %get3A_28 = arith.constant 0 : index
    %get3A_29 = vector.load %arg3[%get3A_27, %get3A_28] : memref<1000x128xf32, #tpu.memory_space<vmem>>, vector<1000x128xf32>
    %get3A_30 = arith.constant 0 : index
    %get3A_31 = arith.constant 0 : index
    %get3A_32 = vector.load %arg5[%get3A_30, %get3A_31] : memref<128x128xf32, #tpu.memory_space<vmem>>, vector<128x128xf32>
    %dot_general3A_33 = arith.constant dense<0.000000e+00> : vector<1000x128xf32>
    %dot_general3A_34 = tpu.matmul %get3A_29, %get3A_32, %dot_general3A_33 {dimension_numbers = #tpu.dot_dimension_numbers<[1], [1], [0], [0], [0, 0, 1, 0], [], []>, precision = #tpu.contract_precision<fp32>, transpose_lhs_hint = false} : vector<1000x128xf32>, vector<128x128xf32>, vector<1000x128xf32> -> vector<1000x128xf32>
    %add3A_35 = arith.addf %dot_general3A_26, %dot_general3A_34 : vector<1000x128xf32>
    %get3A_36 = arith.constant 0 : index
    %get3A_37 = arith.constant 0 : index
    %get3A_38 = vector.load %arg6[%get3A_36, %get3A_37] : memref<1x128xf32, #tpu.memory_space<vmem>>, vector<1x128xf32>
    %add3A_39 = vector.broadcast %get3A_38 : vector<1x128xf32> to vector<1000x128xf32>
    %add3A_40 = arith.addf %add3A_35, %add3A_39 : vector<1000x128xf32>
    %max3A_41 = arith.constant 0.000000e+00 : f32
    %max3A_42 = vector.broadcast %max3A_41 : f32 to vector<1000x128xf32>
    %max3A_43 = arith.maximumf %add3A_40, %max3A_42 : vector<1000x128xf32>
    %swap3A = arith.constant 0 : index
    %swap3A_44 = arith.constant 0 : index
    %swap3A_45 = vector.load %arg7[%swap3A, %swap3A_44] : memref<1000x128xf32, #tpu.memory_space<vmem>>, vector<1000x128xf32>
    tpu.vector_store %arg7[%swap3A, %swap3A_44], %max3A_43 {strides = array<i32>} : memref<1000x128xf32, #tpu.memory_space<vmem>>, vector<1000x128xf32>,
    return
  }
  func.func @transform_0(%arg0: i32) -> (i32, i32, i32) {
    %c0_i32 = arith.constant 0 : i32
    %c0_i32_0 = arith.constant 0 : i32
    %c0_i32_1 = arith.constant 0 : i32
    return %c0_i32, %arg0, %c0_i32_0 : i32, i32, i32
  }
  func.func @transform_1(%arg0: i32) -> (i32, i32, i32) {
    %c0_i32 = arith.constant 0 : i32
    %c0_i32_0 = arith.constant 0 : i32
    %c0_i32_1 = arith.constant 0 : i32
    return %c0_i32, %arg0, %c0_i32_0 : i32, i32, i32
  }
  func.func @transform_2(%arg0: i32) -> (i32, i32) {
    %c0_i32 = arith.constant 0 : i32
    %c0_i32_0 = arith.constant 0 : i32
    return %arg0, %c0_i32 : i32, i32
  }
  func.func @transform_3(%arg0: i32) -> (i32, i32) {
    %c0_i32 = arith.constant 0 : i32
    %c0_i32_0 = arith.constant 0 : i32
    %c0_i32_1 = arith.constant 0 : i32
    return %c0_i32, %c0_i32_0 : i32, i32
  }
  func.func @transform_4(%arg0: i32) -> (i32, i32) {
    %c0_i32 = arith.constant 0 : i32
    %c0_i32_0 = arith.constant 0 : i32
    %c0_i32_1 = arith.constant 0 : i32
    return %c0_i32, %c0_i32_0 : i32, i32
  }
  func.func @transform_5(%arg0: i32) -> (i32, i32) {
    %c0_i32 = arith.constant 0 : i32
    %c0_i32_0 = arith.constant 0 : i32
    %c0_i32_1 = arith.constant 0 : i32
    return %c0_i32, %c0_i32_0 : i32, i32
  }
  func.func @transform_6(%arg0: i32) -> (i32, i32) {
    %c0_i32 = arith.constant 0 : i32
    %c0_i32_0 = arith.constant 0 : i32
    return %arg0, %c0_i32 : i32, i32
  }
}

module attributes {stable_mosaic.version = 14 : i64} {
  func.func @_combine_body(%arg0: i32, %arg1: memref<2x1000x128xf32, #tpu.memory_space<vmem>>, %arg2: memref<2x1000x16xbf16, #tpu.memory_space<vmem>>, %arg3: memref<1000x128xf32, #tpu.memory_space<vmem>>, %arg4: memref<128x128xf32, #tpu.memory_space<vmem>>, %arg5: memref<128x128xf32, #tpu.memory_space<vmem>>, %arg6: memref<1x128xf32, #tpu.memory_space<vmem>>, %arg7: memref<1000x128xf32, #tpu.memory_space<vmem>>) attributes {dimension_semantics = [#tpu.dimension_semantics<arbitrary>], iteration_bounds = array<i64: 10>, scalar_prefetch = 0 : i64, scratch_operands = 0 : i64, tpu.core_type = #tpu.core_type<tc>, window_params = [{transform_indices = @transform_0, window_bounds = array<i64: 2, 1000, 128>}, {transform_indices = @transform_1, window_bounds = array<i64: 2, 1000, 16>}, {transform_indices = @transform_2, window_bounds = array<i64: 1000, 128>}, {pipeline_mode = #tpu.pipeline_mode<synchronous>, transform_indices = @transform_3, window_bounds = array<i64: 128, 128>}, {pipeline_mode = #tpu.pipeline_mode<synchronous>, transform_indices = @transform_4, window_bounds = array<i64: 128, 128>}, {pipeline_mode = #tpu.pipeline_mode<synchronous>, transform_indices = @transform_5, window_bounds = array<i64: 1, 128>}, {transform_indices = @transform_6, window_bounds = array<i64: 1000, 128>}]} {
    %get3A = arith.constant 0 : index
    %get3A_0 = arith.constant 0 : index
    %get3A_1 = arith.constant 0 : index
    %get3A_2 = vector.load %arg1[%get3A, %get3A_0, %get3A_1] : memref<2x1000x128xf32, #tpu.memory_space<vmem>>, vector<1x1000x128xf32>
    %get3A_3 = vector.shape_cast %get3A_2 : vector<1x1000x128xf32> to vector<1000x128xf32>
    %get3A_4 = arith.constant 1 : index
    %get3A_5 = arith.constant 0 : index
    %get3A_6 = arith.constant 0 : index
    %get3A_7 = vector.load %arg1[%get3A_4, %get3A_5, %get3A_6] : memref<2x1000x128xf32, #tpu.memory_space<vmem>>, vector<1x1000x128xf32>
    %get3A_8 = vector.shape_cast %get3A_7 : vector<1x1000x128xf32> to vector<1000x128xf32>
    %add3A = arith.addf %get3A_3, %get3A_8 : vector<1000x128xf32>
    %get3A_9 = arith.constant 0 : index
    %get3A_10 = arith.constant 0 : index
    %get3A_11 = arith.constant 0 : index
    %get3A_12 = vector.load %arg2[%get3A_9, %get3A_10, %get3A_11] : memref<2x1000x16xbf16, #tpu.memory_space<vmem>>, vector<1x1000x1xbf16>
    %get3A_13 = vector.shape_cast %get3A_12 : vector<1x1000x1xbf16> to vector<1000x1xbf16>
    %get3A_14 = arith.constant 1 : index
    %get3A_15 = arith.constant 0 : index
    %get3A_16 = arith.constant 0 : index
    %get3A_17 = vector.load %arg2[%get3A_14, %get3A_15, %get3A_16] : memref<2x1000x16xbf16, #tpu.memory_space<vmem>>, vector<1x1000x1xbf16>
    %get3A_18 = vector.shape_cast %get3A_17 : vector<1x1000x1xbf16> to vector<1000x1xbf16>
    %add3A_19 = arith.addf %get3A_13, %get3A_18 : vector<1000x1xbf16>
    %convert_element_type3A = arith.extf %add3A_19 : vector<1000x1xbf16> to vector<1000x1xf32>
    %max3A = arith.constant 1.000000e+00 : f32
    %max3A_20 = vector.broadcast %max3A : f32 to vector<1000x1xf32>
    %max3A_21 = arith.maximumf %convert_element_type3A, %max3A_20 : vector<1000x1xf32>
    %div3A = vector.broadcast %max3A_21 : vector<1000x1xf32> to vector<1000x128xf32>
    %div3A_22 = arith.divf %add3A, %div3A : vector<1000x128xf32>
    %get3A_23 = arith.constant 0 : index
    %get3A_24 = arith.constant 0 : index
    %get3A_25 = vector.load %arg4[%get3A_23, %get3A_24] : memref<128x128xf32, #tpu.memory_space<vmem>>, vector<128x128xf32>
    %dot_general3A = arith.constant dense<0.000000e+00> : vector<1000x128xf32>
    %dot_general3A_26 = tpu.matmul %div3A_22, %get3A_25, %dot_general3A {dimension_numbers = #tpu.dot_dimension_numbers<[1], [1], [0], [0], [0, 0, 1, 0], [], []>, precision = #tpu.contract_precision<fp32>, transpose_lhs_hint = false} : vector<1000x128xf32>, vector<128x128xf32>, vector<1000x128xf32> -> vector<1000x128xf32>
    %get3A_27 = arith.constant 0 : index
    %get3A_28 = arith.constant 0 : index
    %get3A_29 = vector.load %arg3[%get3A_27, %get3A_28] : memref<1000x128xf32, #tpu.memory_space<vmem>>, vector<1000x128xf32>
    %get3A_30 = arith.constant 0 : index
    %get3A_31 = arith.constant 0 : index
    %get3A_32 = vector.load %arg5[%get3A_30, %get3A_31] : memref<128x128xf32, #tpu.memory_space<vmem>>, vector<128x128xf32>
    %dot_general3A_33 = arith.constant dense<0.000000e+00> : vector<1000x128xf32>
    %dot_general3A_34 = tpu.matmul %get3A_29, %get3A_32, %dot_general3A_33 {dimension_numbers = #tpu.dot_dimension_numbers<[1], [1], [0], [0], [0, 0, 1, 0], [], []>, precision = #tpu.contract_precision<fp32>, transpose_lhs_hint = false} : vector<1000x128xf32>, vector<128x128xf32>, vector<1000x128xf32> -> vector<1000x128xf32>
    %add3A_35 = arith.addf %dot_general3A_26, %dot_general3A_34 : vector<1000x128xf32>
    %get3A_36 = arith.constant 0 : index
    %get3A_37 = arith.constant 0 : index
    %get3A_38 = vector.load %arg6[%get3A_36, %get3A_37] : memref<1x128xf32, #tpu.memory_space<vmem>>, vector<1x128xf32>
    %add3A_39 = vector.broadcast %get3A_38 : vector<1x128xf32> to vector<1000x128xf32>
    %add3A_40 = arith.addf %add3A_35, %add3A_39 : vector<1000x128xf32>
    %swap3A = arith.constant 0 : index
    %swap3A_41 = arith.constant 0 : index
    %swap3A_42 = vector.load %arg7[%swap3A, %swap3A_41] : memref<1000x128xf32, #tpu.memory_space<vmem>>, vector<1000x128xf32>
    tpu.vector_store %arg7[%swap3A, %swap3A_41], %add3A_40 {strides = array<i32>} : memref<1000x128xf32, #tpu.memory_space<vmem>>, vector<1000x128xf32>,
    return
  }
  func.func @transform_0(%arg0: i32) -> (i32, i32, i32) {
    %c0_i32 = arith.constant 0 : i32
    %c0_i32_0 = arith.constant 0 : i32
    %c0_i32_1 = arith.constant 0 : i32
    return %c0_i32, %arg0, %c0_i32_0 : i32, i32, i32
  }
  func.func @transform_1(%arg0: i32) -> (i32, i32, i32) {
    %c0_i32 = arith.constant 0 : i32
    %c0_i32_0 = arith.constant 0 : i32
    %c0_i32_1 = arith.constant 0 : i32
    return %c0_i32, %arg0, %c0_i32_0 : i32, i32, i32
  }
  func.func @transform_2(%arg0: i32) -> (i32, i32) {
    %c0_i32 = arith.constant 0 : i32
    %c0_i32_0 = arith.constant 0 : i32
    return %arg0, %c0_i32 : i32, i32
  }
  func.func @transform_3(%arg0: i32) -> (i32, i32) {
    %c0_i32 = arith.constant 0 : i32
    %c0_i32_0 = arith.constant 0 : i32
    %c0_i32_1 = arith.constant 0 : i32
    return %c0_i32, %c0_i32_0 : i32, i32
  }
  func.func @transform_4(%arg0: i32) -> (i32, i32) {
    %c0_i32 = arith.constant 0 : i32
    %c0_i32_0 = arith.constant 0 : i32
    %c0_i32_1 = arith.constant 0 : i32
    return %c0_i32, %c0_i32_0 : i32, i32
  }
  func.func @transform_5(%arg0: i32) -> (i32, i32) {
    %c0_i32 = arith.constant 0 : i32
    %c0_i32_0 = arith.constant 0 : i32
    %c0_i32_1 = arith.constant 0 : i32
    return %c0_i32, %c0_i32_0 : i32, i32
  }
  func.func @transform_6(%arg0: i32) -> (i32, i32) {
    %c0_i32 = arith.constant 0 : i32
    %c0_i32_0 = arith.constant 0 : i32
    return %arg0, %c0_i32 : i32, i32
  }
}

</mosaic_0001>

<sc_bundles>
// kernel: kernel.11.cloned.1.call-start
scs
__scs_entry_jumppad:
0x0: {  	(pc) =	sbr.rel $0x88, $3  }
0x1: {  	(tag) =	ssettag $0x0;
	lr =	simm.s32 $0x1  }
0x2: {  	[smem:$0x3F96] =	sst lr;
	_ =	strace $0xD0000000  }
0x3: {  	_ = 	snop  }
0x4: {  	_ = 	snop  }
0x5: {  	_ = 	snop  }
0x6: {  	_ = 	snop  }
0x7: {  	_ = 	snop  }
__scs_overlays_trampoline_lowered:
0x8: {  	[smem:$0x3FA5] =	sst s0  }
0x9: {  	[smem:$0x3FA6] =	sst s1  }
0xa: {  	[smem:$0x3FA7] =	sst s2  }
0xb: {  	[smem:$0x3FA8] =	sst s3  }
0xc: {  	[smem:$0x3FA9] =	sst s4  }
0xd: {  	[smem:$0x3FAA] =	sst s5  }
0xe: {  	[smem:$0x3FAB] =	sst s6  }
0xf: {  	[smem:$0x3FAC] =	sst s7  }
0x10: {  	[smem:$0x3FAD] =	sst s8  }
0x11: {  	[smem:$0x3FAE] =	sst s9;
	s0 =	simm.s32 @!p0 $0x0  }
0x12: {  	s1 =	sld [smem:$0x3F94];
	s0 =	simm.s32 @p0 $0x1  }
0x13: {  	[smem:$0x3FAF] =	sst s0;
	s0 =	simm.s32 @!p1 $0x0  }
0x14: {  	s2 =	sld [smem:$0x3F93];
	s0 =	simm.s32 @p1 $0x1  }
0x15: {  	[smem:$0x3FB0] =	sst s0;
	s0 =	simm.s32 @!p2 $0x0  }
0x16: {  	s3 =	sld [smem:$0x3FDB];
	s0 =	simm.s32 @p2 $0x1  }
0x17: {  	s4 =	simm.s32 $0x1BF5;
	[smem:$0x3FB2] =	sst s0  }
0x18: {  	s0 =	sld [smem:$0x3F95];
	_ =	swait.ge [sflag:s4], $0x0  }
0x19: {  	s7 =	sld [smem:$0x3F96]  }
0x1a: {  	s8 =	sadd.s32 $0xFFFFE003, lr  }
0x1b: {  	s9 =	sadd.s32 $0xFFFFFEF7, lr;
	s5 =	simm.s32 $0xFFFFFFFF;
	p2 =	slt.u32 s8, $0xFFFFF086  }
0x1c: {  	p1 =	slt.u32 s9, $0xF7A;
	s5 =	simm.s32 @!p2 $0x0  }
0x1d: {  	s5 =	simm.s32 @p1 $0x1;
	p0 =	seq.s32 s7, s2  }
0x1e: {  	s7 =	smul.u32 @!p0 $0xF7A, s2;
	p2 =	seq.s32 @!p0 s5, $0x0  }
0x1f: {  	s9 =	smul.u32 $0xF7A, s1;
	s8 =	simm.s32 @!p0 $0x1BF5;
	p2 =	por !p2, p0  }
0x20: {  	[sflag:s8] =	ssyncset.s32 @!p0 $0xFFFFF086;
	s6 =	sadd.s32 @!p0 s3, s7;
	s7 =	simm.s32 @!p0 $0x108  }
0x21: {  	s3 =	sadd.s32 s3, s9;
	s6 =	sadd.s32 @!p0 $0x88, s6;
	s7 =	simm.s32 @p2 $0x1082  }
0x22: {  	[simem:s7], [sflag:s8] =	dma.local @!p0 [hbm:s6], $0xF7A  }
0x23: {  	s9 =	sor.u32 $0xD0000000, s2;
	s6 =	simm.s32 $0x108;
	_ =	swait.ge @!p0 [sflag:s8], $0x0  }
0x24: {  	s3 =	sadd.s32 $0x88, s3;
	s6 =	simm.s32 @!p1 $0x1082;
	[sflag:s4] =	ssyncset.s32 $0xFFFFF086  }
0x25: {  	[simem:s6], [sflag:s4] =	dma.local [hbm:s3], $0xF7A  }
0x26: {  	[smem:$0x3F96] =	sst s1;
	(tag) =	ssettag s2;
	_ =	strace s9  }
0x27: {  	s1 =	sld [smem:$0x3FA6]  }
0x28: {  	s2 =	sld [smem:$0x3FA7]  }
0x29: {  	s4 =	sld [smem:$0x3FA9]  }
0x2a: {  	p0 =	seq.s32 s5, $0x0;
	s5 =	sld [smem:$0x3FAA]  }
0x2b: {  	s6 =	sld [smem:$0x3FAB]  }
0x2c: {  	s7 =	sld [smem:$0x3FAC]  }
0x2d: {  	s3 =	simm.s32 $0x108;
	s8 =	sld [smem:$0x3FAD]  }
0x2e: {  	s3 =	simm.s32 @!p0 $0x1082;
	s9 =	sld [smem:$0x3FAE]  }
0x2f: {  	lr =	sadd.s32 s0, s3;
	s0 =	sld [smem:$0x3FA5]  }
0x30: {  	s3 =	sld [smem:$0x3FA8]  }
0x31: {  	[smem:$0x3FB1] =	sst s10  }
0x32: {  	s10 =	sld [smem:$0x3FAF];
	_ =	sdelay $0x3  }
0x33: {  	p0 =	seq.s32 s10, $0x1;
	s10 =	sld [smem:$0x3FB1];
	_ =	sdelay $0x3  }
0x34: {  	[smem:$0x3FB1] =	sst s10  }
0x35: {  	s10 =	sld [smem:$0x3FB0];
	_ =	sdelay $0x3  }
0x36: {  	p1 =	seq.s32 s10, $0x1;
	s10 =	sld [smem:$0x3FB1];
	_ =	sdelay $0x3  }
0x37: {  	[smem:$0x3FB1] =	sst s10  }
0x38: {  	s10 =	sld [smem:$0x3FB2]  }
0x39: {  	_ = 	snop;
	(pc) =	sbr.ind lr, $3  }
0x3a: {  	_ = 	snop  }
0x3b: {  	_ = 	snop  }
0x3c: {  	p2 =	seq.s32 s10, $0x1;
	s10 =	sld [smem:$0x3FB1]  }
0x3d: {  	_ =	shalt  }
0x3e: {  	_ =	shalt  }
0x3f: {  	_ =	shalt  }
0x40: {  	_ =	shalt  }
0x41: {  	_ =	shalt  }
0x42: {  	_ =	shalt  }
0x43: {  	_ =	shalt  }
0x44: {  	_ =	shalt  }
0x45: {  	_ =	shalt  }
0x46: {  	_ =	shalt  }
0x47: {  	_ =	shalt  }
0x48: {  	_ =	shalt  }
0x49: {  	_ =	shalt  }
0x4a: {  	_ =	shalt  }
0x4b: {  	_ =	shalt  }
0x4c: {  	_ =	shalt  }
0x4d: {  	_ =	shalt  }
0x4e: {  	_ =	shalt  }
0x4f: {  	_ =	shalt  }
0x50: {  	_ =	shalt  }
0x51: {  	_ =	shalt  }
0x52: {  	_ =	shalt  }
0x53: {  	_ =	shalt  }
0x54: {  	_ =	shalt  }
0x55: {  	_ =	shalt  }
0x56: {  	_ =	shalt  }
0x57: {  	_ =	shalt  }
0x58: {  	_ =	shalt  }
0x59: {  	_ =	shalt  }
0x5a: {  	_ =	shalt  }
0x5b: {  	_ =	shalt  }
0x5c: {  	_ =	shalt  }
0x5d: {  	_ =	shalt  }
0x5e: {  	_ =	shalt  }
0x5f: {  	_ =	shalt  }
0x60: {  	_ =	shalt  }
0x61: {  	_ =	shalt  }
0x62: {  	_ =	shalt  }
0x63: {  	_ =	shalt  }
0x64: {  	_ =	shalt  }
0x65: {  	_ =	shalt  }
0x66: {  	_ =	shalt  }
0x67: {  	_ =	shalt  }
0x68: {  	_ =	shalt  }
0x69: {  	_ =	shalt  }
0x6a: {  	_ =	shalt  }
0x6b: {  	_ =	shalt  }
0x6c: {  	_ =	shalt  }
0x6d: {  	_ =	shalt  }
0x6e: {  	_ =	shalt  }
0x6f: {  	_ =	shalt  }
0x70: {  	_ =	shalt  }
0x71: {  	_ =	shalt  }
0x72: {  	_ =	shalt  }
0x73: {  	_ =	shalt  }
0x74: {  	_ =	shalt  }
0x75: {  	_ =	shalt  }
0x76: {  	_ =	shalt  }
0x77: {  	_ =	shalt  }
0x78: {  	_ =	shalt  }
0x79: {  	_ =	shalt  }
0x7a: {  	_ =	shalt  }
0x7b: {  	_ =	shalt  }
0x7c: {  	_ =	shalt  }
0x7d: {  	_ =	shalt  }
0x7e: {  	_ =	shalt  }
0x7f: {  	_ =	shalt  }
0x80: {  	_ =	shalt  }
0x81: {  	_ =	shalt  }
0x82: {  	_ =	shalt  }
0x83: {  	_ =	shalt  }
0x84: {  	_ =	shalt  }
0x85: {  	_ =	shalt  }
0x86: {  	_ =	shalt  }
0x87: {  	_ =	shalt  }
.Lfunc_end0:
.L_simem_size_0:
called_computation.1_lowered:
.L_overlay_start_0:
0x88: {  	s2 =	sld [smem:$0x3FD9]  }
0x89: {  	s3 =	sld [smem:$0x3FFE];
	_ =	sdelay $0x1  }
0x8a: {  	s1 =	srdreg.scid  }
0x8b: {  	s0 =	sand.u32 $0x1, s1  }
0x8c: {  	s17 =	sshll.u32 s0, $0xA;
	s2 =	sadd.s32 s3, s2  }
0x8d: {  	s2 =	sadd.s32 s2, s17  }
0x8e: {  	[smem:$0x3FBD] =	sst s2  }
0x8f: {  	_ = 	snop  }
0x90: {  	s2 =	sld [smem:$0x3FD0];
	(tm) =	ssettm $0x1  }
0x91: {  	s18 =	sld [smem:$0x3FFB];
	_ =	sdelay $0x3  }
0x92: {  	_ =	strace s18  }
0x93: {  	s3 =	sld [smem:$0x3FFC];
	_ =	sdelay $0x3  }
0x94: {  	_ =	strace s3  }
0x95: {  	s3 =	sld [smem:$0x3FFD];
	_ =	sdelay $0x3  }
0x96: {  	_ =	strace s3  }
0x97: {  	_ =	strace $0x8FFFFFFF  }
0x98: {  	s19 =	sld [smem:$0x3FDB];
	_ =	sdelay $0x1  }
0x99: {  	s4 =	simm.s32 $_scs_section_size  }
0x9a: {  	s5 =	simm.s32 $_size__tile_overlayer_lowered;
	s6 =	simm.s32 $_tile_overlayer_lowered  }
0x9b: {  	s22 =	simm.s32 $0x1BFF;
	s21 =	sshll.u32 s6, $0x1;
	s3 =	sadd.s32 s4, s19  }
0x9c: {  	s7 =	simm.s32 $0x0;
	s20 =	sshll.u32 s5, $0x1;
	s5 =	sadd.s32 s21, s3  }
0x9d: {  	[timem:s7], [sflag:s22] =	dma.local [hbm:s5], s20  }
0x9e: {  	_ =	swait.ge [sflag:s22], s20  }
0x9f: {  	s4 =	ssub.s32 $0x0, s20;
	[sflag:s22] =	ssyncset.done $0x0  }
0xa0: {  	[sflag:s22] =	ssyncadd.s32 s4;
	_ =	sdelay $0x1  }
0xa1: {  	s23 =	simm.s32 $0x1B8B  }
0xa2: {  	_ =	swait.ge [sflag:s23], $0x1  }
0xa3: {  	[sflag:s23] =	ssyncset.done $0x0  }
0xa4: {  	s25 =	simm.s32 $0x1B8E;
	s24 =	sld [smem:$0x3FFE];
	[sflag:s23] =	ssyncadd.s32 $0xFFFFFFFF  }
0xa5: {  	s26 =	simm.s32 $execute0_lowered;
	[smem:$0x3FD2] =	sst s25  }
0xa6: {  	s5 =	sshll.u32 s26, $0x1;
	_ =	strace $0x80000049;
	[dreg:$0x1] =	wrdreg $0xFFFFFFFF  }
0xa7: {  	s28 =	simm.s32 $_size_execute0_lowered;
	s3 =	sadd.s32 s3, s5;
	[dreg:$0x0] =	wrdreg $0x0  }
0xa8: {  	s5 =	sshll.u32 s28, $0x1;
	[dreg:$0x2] =	wrdreg s3  }
0xa9: {  	[dreg:$0x3] =	wrdreg s5  }
0xaa: {  	[dreg:$0x4] =	wrdreg $0xC0  }
0xab: {  	_ =	task [dreg:s7], $0x5FFFF  }
0xac: {  	[dreg:$0x1] =	wrdreg $0xFFFFFFFF  }
0xad: {  	[dreg:$0x0] =	wrdreg $0x60  }
0xae: {  	[dreg:$0x2] =	wrdreg s2  }
0xaf: {  	[dreg:$0x3] =	wrdreg s24  }
0xb0: {  	[dreg:$0x4] =	wrdreg $0x0  }
0xb1: {  	[dreg:$0x5] =	wrdreg $0x9  }
0xb2: {  	_ =	task.clear_ibuf [dreg:s7], $0x6FFFF;
	_ =	strace $0x90000049  }
0xb3: {  	s29 =	simm.s32 $0x9;
	_ =	strace $0x8000004B  }
0xb4: {  	_ =	swait.ge [sflag:s29], $0x1  }
0xb5: {  	[sflag:s29] =	ssyncadd.s32 $0xFFFFFFFF  }
0xb6: {  	_ =	strace $0x9000004B  }
0xb7: {  	_ =	sfence  }
0xb8: {  	s30 =	sld [smem:$0x0];
	_ =	sdelay $0x2  }
0xb9: {  	s31 =	sshll.u32 s1, $0xD;
	s1 =	sshrl.u32 s1, $0x2  }
0xba: {  	s3 =	sand.u32 $0x4000, s31;
	s1 =	sadd.s32 s1, s30  }
0xbb: {  	s0 =	sor.u32 s3, s0;
	s1 =	sshll.u32 s1, $0x11  }
0xbc: {  	s0 =	sor.u32 s1, s0  }
0xbd: {  	s0 =	sadd.s32 $0x8F2B, s0  }
0xbe: {  	[sflag:s0] =	ssyncadd.remote.s32 $0x1  }
0xbf: {  	_ =	sfence.sel $0xFFFF  }
0xc0: {  	[dreg:$0x0] =	wrdreg $0xFFFFFFFF;
	(pc) =	sbr.abs _section_cstart, $3  }
0xc1: {  	[dreg:$0x1] =	wrdreg $0xFFFFFFFF  }
0xc2: {  	_ =	task.clear_ibuf [dreg:s7], $0x2FFFF;
	_ =	strace $0x9FFFFFFF  }
0xc3: {  	(tm) =	ssettm $0x7FFFFFFF  }
tec
execute0_lowered:
.L_overlay_start_1:
0x0: {  	(tag) =	ssettag $0x1  }
0x1: {  	s0 =	rddreg [dreg:$0x0]  }
0x2: {  	s1 =	srdreg.scid;
	s2 =	rddreg [dreg:$0x1]  }
0x3: {  	s3 =	rddreg [dreg:$0x2];
	s8 =	stileid.u32  }
0x4: {  	s4 =	simm.s32 $0x0;
	s12 =	simm.s32 $0x13C00;
	s14 =	simm.s32 $0x1  }
0x5: {  	s15 =	simm.s32 $0x2;
	s16 =	simm.s32 $0x3;
	s17 =	simm.s32 $0x38  }
0x6: {  	s18 =	simm.s32 $0x18AC0;
	s20 =	simm.s32 $0x1A6C0;
	s22 =	simm.s32 $0x1C2C0  }
0x7: {  	s25 =	simm.s32 $0x1DEC0;
	s26 =	simm.s32 $0x4;
	s28 =	simm.s32 $0x5  }
0x8: {  	s29 =	simm.s32 $0x6;
	s30 =	simm.s32 $0x7;
	s31 =	simm.s32 $0x8  }
0x9: {  	s19 =	simm.s32 $0x18A88;
	s21 =	simm.s32 $0x9;
	s1 =	sand.u32 $0x1, s1  }
0xa: {  	s23 =	simm.s32 $0x0;
	s10 =	smul.u32 $0x13C00, s8;
	s5 =	sshll.u32 s1, $0x4  }
0xb: {  	[smem:$0x7FF] =	sst s4;
	s6 =	smul.u32 $0x27800, s1;
	s5 =	sor.u32 s8, s5  }
0xc: {  	_ =	strace $0x8000004A;
	s1 =	ssub.s32 $0x2, s1;
	s5 =	smul.u32 $0x4EC, s5  }
0xd: {  	s7 =	sshrl.u32 s1, $0x1;
	s11 =	sadd.s32 s10, s3;
	s13 =	sshrl.u32 s10, $0x3  }
0xe: {  	s1 =	ssub.s32 s1, s7;
	s11 =	sshrl.u32 s11, $0x3;
	s9 =	sadd.s32 s5, s2  }
0xf: {  	s5 =	sadd.s32 $0x17C00, s2;
	s2 =	sadd.s32 s6, s2;
	s6 =	sshll.u32 s8, $0x6  }
0x10: {  	s10 =	smax.u32 s1, $0x1;
	s7 =	sor.u32 $0x1C01, s6;
	s2 =	sadd.s32 $0x1A400, s2  }
0x11: {  	s8 =	sadd.s32 $0x4000, s9;
	s9 =	sadd.s32 $0xDE00, s9;
	s24 =	sadd.s32 s13, s2  }
.LBB2_1:
0x12: {  	[spmem:s11], [sflag:s7] =	dma.local [hbm:s5], $0x2780  }
0x13: {  	[tilespmem:s12], [sflag:$0x2] =	stream.linear.gather [hbm4b:s8+s4], $0x2760, $0x38;
	[tilespmem:$0x1FAC0] =	vst v63  }
0x14: {  	s1 =	simm.s32 $0x16360  }
0x15: {  	[tilespmem:s1], [sflag:$0x3] =	stream.linear.gather [hbm4b:s9+s4], $0x2760, $0x38;
	[tilespmem:$0x1FAC0] =	vst v63  }
0x16: {  	_ =	swait.ge [sflag:s14], $0x2780  }
0x17: {  	[sflag:s14] =	ssyncset.done $0x0  }
0x18: {  	[sflag:s14] =	ssyncadd.s32 $0xFFFFD880  }
0x19: {  	_ =	swait.ge [sflag:s15], $0x2760  }
0x1a: {  	[sflag:s15] =	ssyncset.done $0x0  }
0x1b: {  	[sflag:s15] =	ssyncadd.s32 $0xFFFFD8A0  }
0x1c: {  	_ =	swait.ge [sflag:s16], $0x2760  }
0x1d: {  	[sflag:s16] =	ssyncset.done $0x0  }
0x1e: {  	[sflag:s16] =	ssyncadd.s32 $0xFFFFD8A0  }
0x1f: {  	[bflag:$0x0] =	sbarrier.arrive $0xFFFF  }
0x20: {  	[tilespmem:s18], [sflag:$0x1] =	stream.indirect.gather [hbm4b:s0+s17], $0x80, s12, s17, $0xb8;
	[tilespmem:$0x1FAC0] =	vst v63  }
0x21: {  	s2 =	simm.s32 $0x13C38  }
0x22: {  	[tilespmem:s20], [sflag:$0x2] =	stream.indirect.gather [hbm4b:s0+s17], $0x80, s2, s17, $0xb8;
	[tilespmem:$0x1FAC0] =	vst v63  }
0x23: {  	s13 =	simm.s32 $0x13C70  }
0x24: {  	[tilespmem:s22], [sflag:$0x3] =	stream.indirect.gather [hbm4b:s0+s17], $0x80, s13, s17, $0xb8;
	[tilespmem:$0x1FAC0] =	vst v63  }
0x25: {  	s2 =	simm.s32 $0x13CA8  }
0x26: {  	[tilespmem:s25], [sflag:$0x4] =	stream.indirect.gather [hbm4b:s0+s17], $0x80, s2, s17, $0xb8;
	[tilespmem:$0x1FAC0] =	vst v63  }
0x27: {  	_ =	swait.ge [sflag:s14], $0x1C00  }
0x28: {  	[sflag:s14] =	ssyncset.done $0x0  }
0x29: {  	s13 =	simm.s32 $0x16360;
	[sflag:s14] =	ssyncadd.s32 $0xFFFFE400  }
0x2a: {  	[spmem:s3] =	stream.indirect.scatter.add.f32 [tilespmem:s18], [sflag:$0x5], $0x80, s13, s17, $0xb8;
	[tilespmem:$0x1FAC0] =	vst v63  }
0x2b: {  	_ =	swait.ge [sflag:s15], $0x1C00  }
0x2c: {  	[sflag:s15] =	ssyncset.done $0x0  }
0x2d: {  	s2 =	simm.s32 $0x16398;
	[sflag:s15] =	ssyncadd.s32 $0xFFFFE400  }
0x2e: {  	[spmem:s3] =	stream.indirect.scatter.add.f32 [tilespmem:s20], [sflag:$0x6], $0x80, s2, s17, $0xb8;
	[tilespmem:$0x1FAC0] =	vst v63  }
0x2f: {  	_ =	swait.ge [sflag:s16], $0x1C00  }
0x30: {  	[sflag:s16] =	ssyncset.done $0x0  }
0x31: {  	s13 =	simm.s32 $0x163D0;
	[sflag:s16] =	ssyncadd.s32 $0xFFFFE400  }
0x32: {  	[spmem:s3] =	stream.indirect.scatter.add.f32 [tilespmem:s22], [sflag:$0x7], $0x80, s13, s17, $0xb8;
	[tilespmem:$0x1FAC0] =	vst v63  }
0x33: {  	_ =	swait.ge [sflag:s26], $0x1C00  }
0x34: {  	[sflag:s26] =	ssyncset.done $0x0  }
0x35: {  	s2 =	simm.s32 $0x16408;
	[sflag:s26] =	ssyncadd.s32 $0xFFFFE400  }
0x36: {  	[spmem:s3] =	stream.indirect.scatter.add.f32 [tilespmem:s25], [sflag:$0x8], $0x80, s2, s17, $0xb8;
	[tilespmem:$0x1FAC0] =	vst v63  }
0x37: {  	_ =	swait.ge [sflag:s28], $0x1C00  }
0x38: {  	[sflag:s28] =	ssyncset.done $0x0  }
0x39: {  	s13 =	simm.s32 $0x13CE0;
	[sflag:s28] =	ssyncadd.s32 $0xFFFFE400  }
0x3a: {  	[tilespmem:s18], [sflag:$0x1] =	stream.indirect.gather [hbm4b:s0+s17], $0x80, s13, s17, $0xb8;
	[tilespmem:$0x1FAC0] =	vst v63  }
0x3b: {  	_ =	swait.ge [sflag:s29], $0x1C00  }
0x3c: {  	[sflag:s29] =	ssyncset.done $0x0  }
0x3d: {  	s2 =	simm.s32 $0x13D18;
	[sflag:s29] =	ssyncadd.s32 $0xFFFFE400  }
0x3e: {  	[tilespmem:s20], [sflag:$0x2] =	stream.indirect.gather [hbm4b:s0+s17], $0x80, s2, s17, $0xb8;
	[tilespmem:$0x1FAC0] =	vst v63  }
0x3f: {  	_ =	swait.ge [sflag:s30], $0x1C00  }
0x40: {  	[sflag:s30] =	ssyncset.done $0x0  }
0x41: {  	s13 =	simm.s32 $0x13D50;
	[sflag:s30] =	ssyncadd.s32 $0xFFFFE400  }
0x42: {  	[tilespmem:s22], [sflag:$0x3] =	stream.indirect.gather [hbm4b:s0+s17], $0x80, s13, s17, $0xb8;
	[tilespmem:$0x1FAC0] =	vst v63  }
0x43: {  	_ =	swait.ge [sflag:s31], $0x1C00  }
0x44: {  	[sflag:s31] =	ssyncset.done $0x0  }
0x45: {  	s1 =	simm.s32 $0x380;
	s2 =	simm.s32 $0x13D88;
	[sflag:s31] =	ssyncadd.s32 $0xFFFFE400  }
.LBB2_2:
0x46: {  	[tilespmem:s25], [sflag:$0x4] =	stream.indirect.gather [hbm4b:s0+s17], $0x80, s2, s17, $0xb8;
	[tilespmem:$0x1FAC0] =	vst v63  }
0x47: {  	s2 =	smov.u32 s1  }
0x48: {  	p0 =	sne.s32 s1, $0x9680;
	s1 =	sadd.s32 $0x380, s1;
	_ =	swait.ge [sflag:s14], $0x1C00  }
0x49: {  	s2 =	sshra.s32 s2, $0x2;
	[sflag:s14] =	ssyncset.done $0x0  }
0x4a: {  	s13 =	sadd.s32 $0x16360, s2;
	[sflag:s14] =	ssyncadd.s32 $0xFFFFE400  }
0x4b: {  	[spmem:s3] =	stream.indirect.scatter.add.f32 [tilespmem:s18], [sflag:$0x5], $0x80, s13, s17, $0xb8;
	[tilespmem:$0x1FAC0] =	vst v63  }
0x4c: {  	_ =	swait.ge [sflag:s15], $0x1C00  }
0x4d: {  	[sflag:s15] =	ssyncset.done $0x0  }
0x4e: {  	s13 =	sadd.s32 $0x16398, s2;
	[sflag:s15] =	ssyncadd.s32 $0xFFFFE400  }
0x4f: {  	[spmem:s3] =	stream.indirect.scatter.add.f32 [tilespmem:s20], [sflag:$0x6], $0x80, s13, s17, $0xb8;
	[tilespmem:$0x1FAC0] =	vst v63  }
0x50: {  	_ =	swait.ge [sflag:s16], $0x1C00  }
0x51: {  	[sflag:s16] =	ssyncset.done $0x0  }
0x52: {  	s13 =	sadd.s32 $0x163D0, s2;
	[sflag:s16] =	ssyncadd.s32 $0xFFFFE400  }
0x53: {  	[spmem:s3] =	stream.indirect.scatter.add.f32 [tilespmem:s22], [sflag:$0x7], $0x80, s13, s17, $0xb8;
	[tilespmem:$0x1FAC0] =	vst v63  }
0x54: {  	_ =	swait.ge [sflag:s26], $0x1C00  }
0x55: {  	[sflag:s26] =	ssyncset.done $0x0  }
0x56: {  	s13 =	sadd.s32 $0x16408, s2;
	[sflag:s26] =	ssyncadd.s32 $0xFFFFE400  }
0x57: {  	[spmem:s3] =	stream.indirect.scatter.add.f32 [tilespmem:s25], [sflag:$0x8], $0x80, s13, s17, $0xb8;
	[tilespmem:$0x1FAC0] =	vst v63  }
0x58: {  	_ =	swait.ge [sflag:s28], $0x1C00  }
0x59: {  	[sflag:s28] =	ssyncset.done $0x0  }
0x5a: {  	s13 =	sadd.s32 $0x13CE0, s2;
	[sflag:s28] =	ssyncadd.s32 $0xFFFFE400  }
0x5b: {  	[tilespmem:s18], [sflag:$0x1] =	stream.indirect.gather [hbm4b:s0+s17], $0x80, s13, s17, $0xb8;
	[tilespmem:$0x1FAC0] =	vst v63  }
0x5c: {  	_ =	swait.ge [sflag:s29], $0x1C00  }
0x5d: {  	[sflag:s29] =	ssyncset.done $0x0  }
0x5e: {  	s13 =	sadd.s32 $0x13D18, s2;
	[sflag:s29] =	ssyncadd.s32 $0xFFFFE400  }
0x5f: {  	[tilespmem:s20], [sflag:$0x2] =	stream.indirect.gather [hbm4b:s0+s17], $0x80, s13, s17, $0xb8;
	[tilespmem:$0x1FAC0] =	vst v63  }
0x60: {  	_ =	swait.ge [sflag:s30], $0x1C00  }
0x61: {  	[sflag:s30] =	ssyncset.done $0x0  }
.Ltmp0:
0x62: {  	s13 =	sadd.s32 $0x13D50, s2;
	[sflag:s30] =	ssyncadd.s32 $0xFFFFE400;
	(pc) =	sbr.rel @p0 .LBB2_2-.Ltmp0, $4  }
0x63: {  	[tilespmem:s22], [sflag:$0x3] =	stream.indirect.gather [hbm4b:s0+s17], $0x80, s13, s17, $0xb8;
	[tilespmem:$0x1FAC0] =	vst v63  }
0x64: {  	_ =	swait.ge [sflag:s31], $0x1C00  }
0x65: {  	[sflag:s31] =	ssyncset.done $0x0  }
0x66: {  	s2 =	sadd.s32 $0x13D88, s2;
	[sflag:s31] =	ssyncadd.s32 $0xFFFFE400  }
0x67: {  	[tilespmem:s25], [sflag:$0x4] =	stream.indirect.gather [hbm4b:s0+s17], $0x80, s2, s17, $0xb8;
	[tilespmem:$0x1FAC0] =	vst v63  }
0x68: {  	_ =	swait.ge [sflag:s14], $0x1C00  }
0x69: {  	[sflag:s14] =	ssyncset.done $0x0  }
0x6a: {  	s1 =	simm.s32 $0x189E0;
	[sflag:s14] =	ssyncadd.s32 $0xFFFFE400  }
0x6b: {  	[spmem:s3] =	stream.indirect.scatter.add.f32 [tilespmem:s18], [sflag:$0x5], $0x80, s1, s17, $0xb8;
	[tilespmem:$0x1FAC0] =	vst v63  }
0x6c: {  	_ =	swait.ge [sflag:s15], $0x1C00  }
0x6d: {  	[sflag:s15] =	ssyncset.done $0x0  }
0x6e: {  	s13 =	simm.s32 $0x18A18;
	[sflag:s15] =	ssyncadd.s32 $0xFFFFE400  }
0x6f: {  	[spmem:s3] =	stream.indirect.scatter.add.f32 [tilespmem:s20], [sflag:$0x6], $0x80, s13, s17, $0xb8;
	[tilespmem:$0x1FAC0] =	vst v63  }
0x70: {  	_ =	swait.ge [sflag:s16], $0x1C00  }
0x71: {  	[sflag:s16] =	ssyncset.done $0x0  }
0x72: {  	s2 =	simm.s32 $0x18A50;
	[sflag:s16] =	ssyncadd.s32 $0xFFFFE400  }
0x73: {  	[spmem:s3] =	stream.indirect.scatter.add.f32 [tilespmem:s22], [sflag:$0x7], $0x80, s2, s17, $0xb8;
	[tilespmem:$0x1FAC0] =	vst v63  }
0x74: {  	_ =	swait.ge [sflag:s26], $0x1C00  }
0x75: {  	[sflag:s26] =	ssyncset.done $0x0  }
0x76: {  	[sflag:s26] =	ssyncadd.s32 $0xFFFFE400  }
0x77: {  	[spmem:s3] =	stream.indirect.scatter.add.f32 [tilespmem:s25], [sflag:$0x8], $0x80, s19, s17, $0xb8;
	[tilespmem:$0x1FAC0] =	vst v63  }
0x78: {  	_ =	swait.ge [sflag:s28], $0x1C00  }
0x79: {  	[sflag:s28] =	ssyncset.done $0x0  }
0x7a: {  	[sflag:s28] =	ssyncadd.s32 $0xFFFFE400  }
0x7b: {  	_ =	swait.ge [sflag:s29], $0x1C00  }
0x7c: {  	[sflag:s29] =	ssyncset.done $0x0  }
0x7d: {  	[sflag:s29] =	ssyncadd.s32 $0xFFFFE400  }
0x7e: {  	_ =	swait.ge [sflag:s30], $0x1C00  }
0x7f: {  	[sflag:s30] =	ssyncset.done $0x0  }
0x80: {  	[sflag:s30] =	ssyncadd.s32 $0xFFFFE400  }
0x81: {  	_ =	swait.ge [sflag:s31], $0x1C00  }
0x82: {  	s23 =	sadd.s32 $0x1, s23;
	[sflag:s31] =	ssyncset.done $0x0  }
0x83: {  	p0 =	sne.s32 s23, s10;
	[sflag:s31] =	ssyncadd.s32 $0xFFFFE400  }
.Ltmp1:
0x84: {  	s13 =	sor.u32 $0x1C09, s6;
	[bflag:$0x0] =	sbarrier.arrive $0xFFFF;
	(pc) =	sbr.rel @p0 .LBB2_1-.Ltmp1, $4  }
0x85: {  	[hbm:s24], [sflag:s13] =	dma.local [spmem:s11], $0x2780  }
0x86: {  	_ =	swait.ge [sflag:s21], $0x2780  }
0x87: {  	[sflag:s21] =	ssyncset.done $0x0  }
0x88: {  	[sflag:s21] =	ssyncadd.s32 $0xFFFFD880  }
0x89: {  	_ =	sfence.sel $0x180000  }
0x8a: {  	[bflag:$0x0] =	sbarrier.arrive $0xFFFF  }
0x8b: {  	_ =	strace $0x9000004A  }
0x8c: {  	s0 =	stileid.u32;
	[bflag:$0x2] =	sbarrier.arrive $0xFFFF  }
0x8d: {  	p0 =	sne.s32 s0, $0x0;
	s0 =	rddreg [dreg:$0x3]  }
0x8e: {  	s0 =	sadd.s32 @!p0 $0x100000, s0  }
0x8f: {  	[sflag:s0] =	ssyncadd.tile.s32 @!p0 $0x1;
	_ =	shalt  }
.Lfunc_end2:
_tile_overlayer_lowered:
.L_overlay_start_2:
0x90: {  	(tag) =	ssettag $0x2  }
0x91: {  	s0 =	rddreg [dreg:$0x0];
	s2 =	stileid.u32  }
0x92: {  	s1 =	rddreg [dreg:$0x1];
	p0 =	sne.s32 s2, $0x0  }
0x93: {  	s3 =	rddreg [dreg:$0x2];
	[bflag:$0x3] =	sbarrier.arrive $0xFFFF;
	s2 =	simm.s32 @!p0 $0x1C09  }
0x94: {  	[timem:s3], [sflag:s2] =	dma.local @!p0 [hbm:s0], s1  }
0x95: {  	s0 =	simm.s32 @!p0 $0x9  }
0x96: {  	_ =	swait.ge @!p0 [sflag:s0], s1  }
0x97: {  	s1 =	ssub.s32 @!p0 $0x0, s1;
	[sflag:s0] =	ssyncset.done @!p0 $0x0  }
0x98: {  	[sflag:s0] =	ssyncadd.s32 @!p0 s1  }
0x99: {  	[bflag:$0x3] =	sbarrier.arrive $0xFFFF  }
0x9a: {  	_ =	shalt  }

// kernel: kernel.14.cloned.1.call-start
scs
__scs_entry_jumppad:
0x0: {  	(pc) =	sbr.rel $0x88, $3  }
0x1: {  	(tag) =	ssettag $0x0;
	lr =	simm.s32 $0x1  }
0x2: {  	[smem:$0x3F96] =	sst lr;
	_ =	strace $0xD0000000  }
0x3: {  	_ = 	snop  }
0x4: {  	_ = 	snop  }
0x5: {  	_ = 	snop  }
0x6: {  	_ = 	snop  }
0x7: {  	_ = 	snop  }
__scs_overlays_trampoline_lowered:
0x8: {  	[smem:$0x3FA5] =	sst s0  }
0x9: {  	[smem:$0x3FA6] =	sst s1  }
0xa: {  	[smem:$0x3FA7] =	sst s2  }
0xb: {  	[smem:$0x3FA8] =	sst s3  }
0xc: {  	[smem:$0x3FA9] =	sst s4  }
0xd: {  	[smem:$0x3FAA] =	sst s5  }
0xe: {  	[smem:$0x3FAB] =	sst s6  }
0xf: {  	[smem:$0x3FAC] =	sst s7  }
0x10: {  	[smem:$0x3FAD] =	sst s8  }
0x11: {  	[smem:$0x3FAE] =	sst s9;
	s0 =	simm.s32 @!p0 $0x0  }
0x12: {  	s1 =	sld [smem:$0x3F94];
	s0 =	simm.s32 @p0 $0x1  }
0x13: {  	[smem:$0x3FAF] =	sst s0;
	s0 =	simm.s32 @!p1 $0x0  }
0x14: {  	s2 =	sld [smem:$0x3F93];
	s0 =	simm.s32 @p1 $0x1  }
0x15: {  	[smem:$0x3FB0] =	sst s0;
	s0 =	simm.s32 @!p2 $0x0  }
0x16: {  	s3 =	sld [smem:$0x3FDB];
	s0 =	simm.s32 @p2 $0x1  }
0x17: {  	s4 =	simm.s32 $0x1BF5;
	[smem:$0x3FB2] =	sst s0  }
0x18: {  	s0 =	sld [smem:$0x3F95];
	_ =	swait.ge [sflag:s4], $0x0  }
0x19: {  	s7 =	sld [smem:$0x3F96]  }
0x1a: {  	s8 =	sadd.s32 $0xFFFFE003, lr  }
0x1b: {  	s9 =	sadd.s32 $0xFFFFFEF7, lr;
	s5 =	simm.s32 $0xFFFFFFFF;
	p2 =	slt.u32 s8, $0xFFFFF086  }
0x1c: {  	p1 =	slt.u32 s9, $0xF7A;
	s5 =	simm.s32 @!p2 $0x0  }
0x1d: {  	s5 =	simm.s32 @p1 $0x1;
	p0 =	seq.s32 s7, s2  }
0x1e: {  	s7 =	smul.u32 @!p0 $0xF7A, s2;
	p2 =	seq.s32 @!p0 s5, $0x0  }
0x1f: {  	s9 =	smul.u32 $0xF7A, s1;
	s8 =	simm.s32 @!p0 $0x1BF5;
	p2 =	por !p2, p0  }
0x20: {  	[sflag:s8] =	ssyncset.s32 @!p0 $0xFFFFF086;
	s6 =	sadd.s32 @!p0 s3, s7;
	s7 =	simm.s32 @!p0 $0x108  }
0x21: {  	s3 =	sadd.s32 s3, s9;
	s6 =	sadd.s32 @!p0 $0x88, s6;
	s7 =	simm.s32 @p2 $0x1082  }
0x22: {  	[simem:s7], [sflag:s8] =	dma.local @!p0 [hbm:s6], $0xF7A  }
0x23: {  	s9 =	sor.u32 $0xD0000000, s2;
	s6 =	simm.s32 $0x108;
	_ =	swait.ge @!p0 [sflag:s8], $0x0  }
0x24: {  	s3 =	sadd.s32 $0x88, s3;
	s6 =	simm.s32 @!p1 $0x1082;
	[sflag:s4] =	ssyncset.s32 $0xFFFFF086  }
0x25: {  	[simem:s6], [sflag:s4] =	dma.local [hbm:s3], $0xF7A  }
0x26: {  	[smem:$0x3F96] =	sst s1;
	(tag) =	ssettag s2;
	_ =	strace s9  }
0x27: {  	s1 =	sld [smem:$0x3FA6]  }
0x28: {  	s2 =	sld [smem:$0x3FA7]  }
0x29: {  	s4 =	sld [smem:$0x3FA9]  }
0x2a: {  	p0 =	seq.s32 s5, $0x0;
	s5 =	sld [smem:$0x3FAA]  }
0x2b: {  	s6 =	sld [smem:$0x3FAB]  }
0x2c: {  	s7 =	sld [smem:$0x3FAC]  }
0x2d: {  	s3 =	simm.s32 $0x108;
	s8 =	sld [smem:$0x3FAD]  }
0x2e: {  	s3 =	simm.s32 @!p0 $0x1082;
	s9 =	sld [smem:$0x3FAE]  }
0x2f: {  	lr =	sadd.s32 s0, s3;
	s0 =	sld [smem:$0x3FA5]  }
0x30: {  	s3 =	sld [smem:$0x3FA8]  }
0x31: {  	[smem:$0x3FB1] =	sst s10  }
0x32: {  	s10 =	sld [smem:$0x3FAF];
	_ =	sdelay $0x3  }
0x33: {  	p0 =	seq.s32 s10, $0x1;
	s10 =	sld [smem:$0x3FB1];
	_ =	sdelay $0x3  }
0x34: {  	[smem:$0x3FB1] =	sst s10  }
0x35: {  	s10 =	sld [smem:$0x3FB0];
	_ =	sdelay $0x3  }
0x36: {  	p1 =	seq.s32 s10, $0x1;
	s10 =	sld [smem:$0x3FB1];
	_ =	sdelay $0x3  }
0x37: {  	[smem:$0x3FB1] =	sst s10  }
0x38: {  	s10 =	sld [smem:$0x3FB2]  }
0x39: {  	_ = 	snop;
	(pc) =	sbr.ind lr, $3  }
0x3a: {  	_ = 	snop  }
0x3b: {  	_ = 	snop  }
0x3c: {  	p2 =	seq.s32 s10, $0x1;
	s10 =	sld [smem:$0x3FB1]  }
0x3d: {  	_ =	shalt  }
0x3e: {  	_ =	shalt  }
0x3f: {  	_ =	shalt  }
0x40: {  	_ =	shalt  }
0x41: {  	_ =	shalt  }
0x42: {  	_ =	shalt  }
0x43: {  	_ =	shalt  }
0x44: {  	_ =	shalt  }
0x45: {  	_ =	shalt  }
0x46: {  	_ =	shalt  }
0x47: {  	_ =	shalt  }
0x48: {  	_ =	shalt  }
0x49: {  	_ =	shalt  }
0x4a: {  	_ =	shalt  }
0x4b: {  	_ =	shalt  }
0x4c: {  	_ =	shalt  }
0x4d: {  	_ =	shalt  }
0x4e: {  	_ =	shalt  }
0x4f: {  	_ =	shalt  }
0x50: {  	_ =	shalt  }
0x51: {  	_ =	shalt  }
0x52: {  	_ =	shalt  }
0x53: {  	_ =	shalt  }
0x54: {  	_ =	shalt  }
0x55: {  	_ =	shalt  }
0x56: {  	_ =	shalt  }
0x57: {  	_ =	shalt  }
0x58: {  	_ =	shalt  }
0x59: {  	_ =	shalt  }
0x5a: {  	_ =	shalt  }
0x5b: {  	_ =	shalt  }
0x5c: {  	_ =	shalt  }
0x5d: {  	_ =	shalt  }
0x5e: {  	_ =	shalt  }
0x5f: {  	_ =	shalt  }
0x60: {  	_ =	shalt  }
0x61: {  	_ =	shalt  }
0x62: {  	_ =	shalt  }
0x63: {  	_ =	shalt  }
0x64: {  	_ =	shalt  }
0x65: {  	_ =	shalt  }
0x66: {  	_ =	shalt  }
0x67: {  	_ =	shalt  }
0x68: {  	_ =	shalt  }
0x69: {  	_ =	shalt  }
0x6a: {  	_ =	shalt  }
0x6b: {  	_ =	shalt  }
0x6c: {  	_ =	shalt  }
0x6d: {  	_ =	shalt  }
0x6e: {  	_ =	shalt  }
0x6f: {  	_ =	shalt  }
0x70: {  	_ =	shalt  }
0x71: {  	_ =	shalt  }
0x72: {  	_ =	shalt  }
0x73: {  	_ =	shalt  }
0x74: {  	_ =	shalt  }
0x75: {  	_ =	shalt  }
0x76: {  	_ =	shalt  }
0x77: {  	_ =	shalt  }
0x78: {  	_ =	shalt  }
0x79: {  	_ =	shalt  }
0x7a: {  	_ =	shalt  }
0x7b: {  	_ =	shalt  }
0x7c: {  	_ =	shalt  }
0x7d: {  	_ =	shalt  }
0x7e: {  	_ =	shalt  }
0x7f: {  	_ =	shalt  }
0x80: {  	_ =	shalt  }
0x81: {  	_ =	shalt  }
0x82: {  	_ =	shalt  }
0x83: {  	_ =	shalt  }
0x84: {  	_ =	shalt  }
0x85: {  	_ =	shalt  }
0x86: {  	_ =	shalt  }
0x87: {  	_ =	shalt  }
.Lfunc_end0:
.L_simem_size_0:
called_computation.2_lowered:
.L_overlay_start_0:
0x88: {  	s2 =	sld [smem:$0x3FD9]  }
0x89: {  	s3 =	sld [smem:$0x3FFE];
	_ =	sdelay $0x1  }
0x8a: {  	s1 =	srdreg.scid  }
0x8b: {  	s0 =	sand.u32 $0x1, s1  }
0x8c: {  	s17 =	sshll.u32 s0, $0xA;
	s2 =	sadd.s32 s3, s2  }
0x8d: {  	s2 =	sadd.s32 s2, s17  }
0x8e: {  	[smem:$0x3FBD] =	sst s2  }
0x8f: {  	_ = 	snop  }
0x90: {  	s2 =	sld [smem:$0x3FD0];
	(tm) =	ssettm $0x1  }
0x91: {  	s18 =	sld [smem:$0x3FFB];
	_ =	sdelay $0x3  }
0x92: {  	_ =	strace s18  }
0x93: {  	s3 =	sld [smem:$0x3FFC];
	_ =	sdelay $0x3  }
0x94: {  	_ =	strace s3  }
0x95: {  	s3 =	sld [smem:$0x3FFD];
	_ =	sdelay $0x3  }
0x96: {  	_ =	strace s3  }
0x97: {  	_ =	strace $0x8FFFFFFF  }
0x98: {  	s19 =	sld [smem:$0x3FDB];
	_ =	sdelay $0x1  }
0x99: {  	s4 =	simm.s32 $_scs_section_size  }
0x9a: {  	s5 =	simm.s32 $_size__tile_overlayer_lowered;
	s6 =	simm.s32 $_tile_overlayer_lowered  }
0x9b: {  	s22 =	simm.s32 $0x1BFF;
	s21 =	sshll.u32 s6, $0x1;
	s3 =	sadd.s32 s4, s19  }
0x9c: {  	s7 =	simm.s32 $0x0;
	s20 =	sshll.u32 s5, $0x1;
	s5 =	sadd.s32 s21, s3  }
0x9d: {  	[timem:s7], [sflag:s22] =	dma.local [hbm:s5], s20  }
0x9e: {  	_ =	swait.ge [sflag:s22], s20  }
0x9f: {  	s4 =	ssub.s32 $0x0, s20;
	[sflag:s22] =	ssyncset.done $0x0  }
0xa0: {  	[sflag:s22] =	ssyncadd.s32 s4;
	_ =	sdelay $0x1  }
0xa1: {  	s23 =	simm.s32 $0x1B8B  }
0xa2: {  	_ =	swait.ge [sflag:s23], $0x1  }
0xa3: {  	[sflag:s23] =	ssyncset.done $0x0  }
0xa4: {  	s25 =	simm.s32 $0x1B8E;
	s24 =	sld [smem:$0x3FFE];
	[sflag:s23] =	ssyncadd.s32 $0xFFFFFFFF  }
0xa5: {  	s26 =	simm.s32 $execute0_lowered;
	[smem:$0x3FD2] =	sst s25  }
0xa6: {  	s5 =	sshll.u32 s26, $0x1;
	_ =	strace $0x8000004C;
	[dreg:$0x1] =	wrdreg $0xFFFFFFFF  }
0xa7: {  	s28 =	simm.s32 $_size_execute0_lowered;
	s3 =	sadd.s32 s3, s5;
	[dreg:$0x0] =	wrdreg $0x0  }
0xa8: {  	s5 =	sshll.u32 s28, $0x1;
	[dreg:$0x2] =	wrdreg s3  }
0xa9: {  	[dreg:$0x3] =	wrdreg s5  }
0xaa: {  	[dreg:$0x4] =	wrdreg $0xC0  }
0xab: {  	_ =	task [dreg:s7], $0x5FFFF  }
0xac: {  	[dreg:$0x1] =	wrdreg $0xFFFFFFFF  }
0xad: {  	[dreg:$0x0] =	wrdreg $0x60  }
0xae: {  	[dreg:$0x2] =	wrdreg s2  }
0xaf: {  	[dreg:$0x3] =	wrdreg s24  }
0xb0: {  	[dreg:$0x4] =	wrdreg $0x0  }
0xb1: {  	[dreg:$0x5] =	wrdreg $0x9  }
0xb2: {  	_ =	task.clear_ibuf [dreg:s7], $0x6FFFF;
	_ =	strace $0x9000004C  }
0xb3: {  	s29 =	simm.s32 $0x9;
	_ =	strace $0x8000004E  }
0xb4: {  	_ =	swait.ge [sflag:s29], $0x1  }
0xb5: {  	[sflag:s29] =	ssyncadd.s32 $0xFFFFFFFF  }
0xb6: {  	_ =	strace $0x9000004E  }
0xb7: {  	_ =	sfence  }
0xb8: {  	s30 =	sld [smem:$0x0];
	_ =	sdelay $0x2  }
0xb9: {  	s31 =	sshll.u32 s1, $0xD;
	s1 =	sshrl.u32 s1, $0x2  }
0xba: {  	s3 =	sand.u32 $0x4000, s31;
	s1 =	sadd.s32 s1, s30  }
0xbb: {  	s0 =	sor.u32 s3, s0;
	s1 =	sshll.u32 s1, $0x11  }
0xbc: {  	s0 =	sor.u32 s1, s0  }
0xbd: {  	s0 =	sadd.s32 $0x8F2B, s0  }
0xbe: {  	[sflag:s0] =	ssyncadd.remote.s32 $0x1  }
0xbf: {  	_ =	sfence.sel $0xFFFF  }
0xc0: {  	[dreg:$0x0] =	wrdreg $0xFFFFFFFF;
	(pc) =	sbr.abs _section_cstart, $3  }
0xc1: {  	[dreg:$0x1] =	wrdreg $0xFFFFFFFF  }
0xc2: {  	_ =	task.clear_ibuf [dreg:s7], $0x2FFFF;
	_ =	strace $0x9FFFFFFF  }
0xc3: {  	(tm) =	ssettm $0x7FFFFFFF  }
tec
execute0_lowered:
.L_overlay_start_1:
0x0: {  	(tag) =	ssettag $0x1  }
0x1: {  	s0 =	rddreg [dreg:$0x0]  }
0x2: {  	s1 =	srdreg.scid;
	s2 =	rddreg [dreg:$0x1]  }
0x3: {  	s3 =	rddreg [dreg:$0x2];
	s8 =	stileid.u32  }
0x4: {  	s4 =	simm.s32 $0x0;
	s12 =	simm.s32 $0x13C00;
	s14 =	simm.s32 $0x1  }
0x5: {  	s15 =	simm.s32 $0x2;
	s16 =	simm.s32 $0x3;
	s17 =	simm.s32 $0x38  }
0x6: {  	s18 =	simm.s32 $0x18AC0;
	s20 =	simm.s32 $0x1A6C0;
	s22 =	simm.s32 $0x1C2C0  }
0x7: {  	s25 =	simm.s32 $0x1DEC0;
	s26 =	simm.s32 $0x4;
	s28 =	simm.s32 $0x5  }
0x8: {  	s29 =	simm.s32 $0x6;
	s30 =	simm.s32 $0x7;
	s31 =	simm.s32 $0x8  }
0x9: {  	s19 =	simm.s32 $0x18A88;
	s21 =	simm.s32 $0x9;
	s1 =	sand.u32 $0x1, s1  }
0xa: {  	s23 =	simm.s32 $0x0;
	s10 =	smul.u32 $0x13C00, s8;
	s5 =	sshll.u32 s1, $0x4  }
0xb: {  	[smem:$0x7FF] =	sst s4;
	s6 =	smul.u32 $0x27800, s1;
	s5 =	sor.u32 s8, s5  }
0xc: {  	_ =	strace $0x8000004D;
	s1 =	ssub.s32 $0x2, s1;
	s5 =	smul.u32 $0x4EC, s5  }
0xd: {  	s7 =	sshrl.u32 s1, $0x1;
	s11 =	sadd.s32 s10, s3;
	s13 =	sshrl.u32 s10, $0x3  }
0xe: {  	s1 =	ssub.s32 s1, s7;
	s11 =	sshrl.u32 s11, $0x3;
	s9 =	sadd.s32 s5, s2  }
0xf: {  	s5 =	sadd.s32 $0x17C00, s2;
	s2 =	sadd.s32 s6, s2;
	s6 =	sshll.u32 s8, $0x6  }
0x10: {  	s10 =	smax.u32 s1, $0x1;
	s7 =	sor.u32 $0x1C01, s6;
	s2 =	sadd.s32 $0x1A400, s2  }
0x11: {  	s8 =	sadd.s32 $0x4000, s9;
	s9 =	sadd.s32 $0xDE00, s9;
	s24 =	sadd.s32 s13, s2  }
.LBB2_1:
0x12: {  	[spmem:s11], [sflag:s7] =	dma.local [hbm:s5], $0x2780  }
0x13: {  	[tilespmem:s12], [sflag:$0x2] =	stream.linear.gather [hbm4b:s8+s4], $0x2760, $0x38;
	[tilespmem:$0x1FAC0] =	vst v63  }
0x14: {  	s1 =	simm.s32 $0x16360  }
0x15: {  	[tilespmem:s1], [sflag:$0x3] =	stream.linear.gather [hbm4b:s9+s4], $0x2760, $0x38;
	[tilespmem:$0x1FAC0] =	vst v63  }
0x16: {  	_ =	swait.ge [sflag:s14], $0x2780  }
0x17: {  	[sflag:s14] =	ssyncset.done $0x0  }
0x18: {  	[sflag:s14] =	ssyncadd.s32 $0xFFFFD880  }
0x19: {  	_ =	swait.ge [sflag:s15], $0x2760  }
0x1a: {  	[sflag:s15] =	ssyncset.done $0x0  }
0x1b: {  	[sflag:s15] =	ssyncadd.s32 $0xFFFFD8A0  }
0x1c: {  	_ =	swait.ge [sflag:s16], $0x2760  }
0x1d: {  	[sflag:s16] =	ssyncset.done $0x0  }
0x1e: {  	[sflag:s16] =	ssyncadd.s32 $0xFFFFD8A0  }
0x1f: {  	[bflag:$0x0] =	sbarrier.arrive $0xFFFF  }
0x20: {  	[tilespmem:s18], [sflag:$0x1] =	stream.indirect.gather [hbm4b:s0+s17], $0x80, s12, s17, $0xb8;
	[tilespmem:$0x1FAC0] =	vst v63  }
0x21: {  	s2 =	simm.s32 $0x13C38  }
0x22: {  	[tilespmem:s20], [sflag:$0x2] =	stream.indirect.gather [hbm4b:s0+s17], $0x80, s2, s17, $0xb8;
	[tilespmem:$0x1FAC0] =	vst v63  }
0x23: {  	s13 =	simm.s32 $0x13C70  }
0x24: {  	[tilespmem:s22], [sflag:$0x3] =	stream.indirect.gather [hbm4b:s0+s17], $0x80, s13, s17, $0xb8;
	[tilespmem:$0x1FAC0] =	vst v63  }
0x25: {  	s2 =	simm.s32 $0x13CA8  }
0x26: {  	[tilespmem:s25], [sflag:$0x4] =	stream.indirect.gather [hbm4b:s0+s17], $0x80, s2, s17, $0xb8;
	[tilespmem:$0x1FAC0] =	vst v63  }
0x27: {  	_ =	swait.ge [sflag:s14], $0x1C00  }
0x28: {  	[sflag:s14] =	ssyncset.done $0x0  }
0x29: {  	s13 =	simm.s32 $0x16360;
	[sflag:s14] =	ssyncadd.s32 $0xFFFFE400  }
0x2a: {  	[spmem:s3] =	stream.indirect.scatter.add.f32 [tilespmem:s18], [sflag:$0x5], $0x80, s13, s17, $0xb8;
	[tilespmem:$0x1FAC0] =	vst v63  }
0x2b: {  	_ =	swait.ge [sflag:s15], $0x1C00  }
0x2c: {  	[sflag:s15] =	ssyncset.done $0x0  }
0x2d: {  	s2 =	simm.s32 $0x16398;
	[sflag:s15] =	ssyncadd.s32 $0xFFFFE400  }
0x2e: {  	[spmem:s3] =	stream.indirect.scatter.add.f32 [tilespmem:s20], [sflag:$0x6], $0x80, s2, s17, $0xb8;
	[tilespmem:$0x1FAC0] =	vst v63  }
0x2f: {  	_ =	swait.ge [sflag:s16], $0x1C00  }
0x30: {  	[sflag:s16] =	ssyncset.done $0x0  }
0x31: {  	s13 =	simm.s32 $0x163D0;
	[sflag:s16] =	ssyncadd.s32 $0xFFFFE400  }
0x32: {  	[spmem:s3] =	stream.indirect.scatter.add.f32 [tilespmem:s22], [sflag:$0x7], $0x80, s13, s17, $0xb8;
	[tilespmem:$0x1FAC0] =	vst v63  }
0x33: {  	_ =	swait.ge [sflag:s26], $0x1C00  }
0x34: {  	[sflag:s26] =	ssyncset.done $0x0  }
0x35: {  	s2 =	simm.s32 $0x16408;
	[sflag:s26] =	ssyncadd.s32 $0xFFFFE400  }
0x36: {  	[spmem:s3] =	stream.indirect.scatter.add.f32 [tilespmem:s25], [sflag:$0x8], $0x80, s2, s17, $0xb8;
	[tilespmem:$0x1FAC0] =	vst v63  }
0x37: {  	_ =	swait.ge [sflag:s28], $0x1C00  }
0x38: {  	[sflag:s28] =	ssyncset.done $0x0  }
0x39: {  	s13 =	simm.s32 $0x13CE0;
	[sflag:s28] =	ssyncadd.s32 $0xFFFFE400  }
0x3a: {  	[tilespmem:s18], [sflag:$0x1] =	stream.indirect.gather [hbm4b:s0+s17], $0x80, s13, s17, $0xb8;
	[tilespmem:$0x1FAC0] =	vst v63  }
0x3b: {  	_ =	swait.ge [sflag:s29], $0x1C00  }
0x3c: {  	[sflag:s29] =	ssyncset.done $0x0  }
0x3d: {  	s2 =	simm.s32 $0x13D18;
	[sflag:s29] =	ssyncadd.s32 $0xFFFFE400  }
0x3e: {  	[tilespmem:s20], [sflag:$0x2] =	stream.indirect.gather [hbm4b:s0+s17], $0x80, s2, s17, $0xb8;
	[tilespmem:$0x1FAC0] =	vst v63  }
0x3f: {  	_ =	swait.ge [sflag:s30], $0x1C00  }
0x40: {  	[sflag:s30] =	ssyncset.done $0x0  }
0x41: {  	s13 =	simm.s32 $0x13D50;
	[sflag:s30] =	ssyncadd.s32 $0xFFFFE400  }
0x42: {  	[tilespmem:s22], [sflag:$0x3] =	stream.indirect.gather [hbm4b:s0+s17], $0x80, s13, s17, $0xb8;
	[tilespmem:$0x1FAC0] =	vst v63  }
0x43: {  	_ =	swait.ge [sflag:s31], $0x1C00  }
0x44: {  	[sflag:s31] =	ssyncset.done $0x0  }
0x45: {  	s1 =	simm.s32 $0x380;
	s2 =	simm.s32 $0x13D88;
	[sflag:s31] =	ssyncadd.s32 $0xFFFFE400  }
.LBB2_2:
0x46: {  	[tilespmem:s25], [sflag:$0x4] =	stream.indirect.gather [hbm4b:s0+s17], $0x80, s2, s17, $0xb8;
	[tilespmem:$0x1FAC0] =	vst v63  }
0x47: {  	s2 =	smov.u32 s1  }
0x48: {  	p0 =	sne.s32 s1, $0x9680;
	s1 =	sadd.s32 $0x380, s1;
	_ =	swait.ge [sflag:s14], $0x1C00  }
0x49: {  	s2 =	sshra.s32 s2, $0x2;
	[sflag:s14] =	ssyncset.done $0x0  }
0x4a: {  	s13 =	sadd.s32 $0x16360, s2;
	[sflag:s14] =	ssyncadd.s32 $0xFFFFE400  }
0x4b: {  	[spmem:s3] =	stream.indirect.scatter.add.f32 [tilespmem:s18], [sflag:$0x5], $0x80, s13, s17, $0xb8;
	[tilespmem:$0x1FAC0] =	vst v63  }
0x4c: {  	_ =	swait.ge [sflag:s15], $0x1C00  }
0x4d: {  	[sflag:s15] =	ssyncset.done $0x0  }
0x4e: {  	s13 =	sadd.s32 $0x16398, s2;
	[sflag:s15] =	ssyncadd.s32 $0xFFFFE400  }
0x4f: {  	[spmem:s3] =	stream.indirect.scatter.add.f32 [tilespmem:s20], [sflag:$0x6], $0x80, s13, s17, $0xb8;
	[tilespmem:$0x1FAC0] =	vst v63  }
0x50: {  	_ =	swait.ge [sflag:s16], $0x1C00  }
0x51: {  	[sflag:s16] =	ssyncset.done $0x0  }
0x52: {  	s13 =	sadd.s32 $0x163D0, s2;
	[sflag:s16] =	ssyncadd.s32 $0xFFFFE400  }
0x53: {  	[spmem:s3] =	stream.indirect.scatter.add.f32 [tilespmem:s22], [sflag:$0x7], $0x80, s13, s17, $0xb8;
	[tilespmem:$0x1FAC0] =	vst v63  }
0x54: {  	_ =	swait.ge [sflag:s26], $0x1C00  }
0x55: {  	[sflag:s26] =	ssyncset.done $0x0  }
0x56: {  	s13 =	sadd.s32 $0x16408, s2;
	[sflag:s26] =	ssyncadd.s32 $0xFFFFE400  }
0x57: {  	[spmem:s3] =	stream.indirect.scatter.add.f32 [tilespmem:s25], [sflag:$0x8], $0x80, s13, s17, $0xb8;
	[tilespmem:$0x1FAC0] =	vst v63  }
0x58: {  	_ =	swait.ge [sflag:s28], $0x1C00  }
0x59: {  	[sflag:s28] =	ssyncset.done $0x0  }
0x5a: {  	s13 =	sadd.s32 $0x13CE0, s2;
	[sflag:s28] =	ssyncadd.s32 $0xFFFFE400  }
0x5b: {  	[tilespmem:s18], [sflag:$0x1] =	stream.indirect.gather [hbm4b:s0+s17], $0x80, s13, s17, $0xb8;
	[tilespmem:$0x1FAC0] =	vst v63  }
0x5c: {  	_ =	swait.ge [sflag:s29], $0x1C00  }
0x5d: {  	[sflag:s29] =	ssyncset.done $0x0  }
0x5e: {  	s13 =	sadd.s32 $0x13D18, s2;
	[sflag:s29] =	ssyncadd.s32 $0xFFFFE400  }
0x5f: {  	[tilespmem:s20], [sflag:$0x2] =	stream.indirect.gather [hbm4b:s0+s17], $0x80, s13, s17, $0xb8;
	[tilespmem:$0x1FAC0] =	vst v63  }
0x60: {  	_ =	swait.ge [sflag:s30], $0x1C00  }
0x61: {  	[sflag:s30] =	ssyncset.done $0x0  }
.Ltmp0:
0x62: {  	s13 =	sadd.s32 $0x13D50, s2;
	[sflag:s30] =	ssyncadd.s32 $0xFFFFE400;
	(pc) =	sbr.rel @p0 .LBB2_2-.Ltmp0, $4  }
0x63: {  	[tilespmem:s22], [sflag:$0x3] =	stream.indirect.gather [hbm4b:s0+s17], $0x80, s13, s17, $0xb8;
	[tilespmem:$0x1FAC0] =	vst v63  }
0x64: {  	_ =	swait.ge [sflag:s31], $0x1C00  }
0x65: {  	[sflag:s31] =	ssyncset.done $0x0  }
0x66: {  	s2 =	sadd.s32 $0x13D88, s2;
	[sflag:s31] =	ssyncadd.s32 $0xFFFFE400  }
0x67: {  	[tilespmem:s25], [sflag:$0x4] =	stream.indirect.gather [hbm4b:s0+s17], $0x80, s2, s17, $0xb8;
	[tilespmem:$0x1FAC0] =	vst v63  }
0x68: {  	_ =	swait.ge [sflag:s14], $0x1C00  }
0x69: {  	[sflag:s14] =	ssyncset.done $0x0  }
0x6a: {  	s1 =	simm.s32 $0x189E0;
	[sflag:s14] =	ssyncadd.s32 $0xFFFFE400  }
0x6b: {  	[spmem:s3] =	stream.indirect.scatter.add.f32 [tilespmem:s18], [sflag:$0x5], $0x80, s1, s17, $0xb8;
	[tilespmem:$0x1FAC0] =	vst v63  }
0x6c: {  	_ =	swait.ge [sflag:s15], $0x1C00  }
0x6d: {  	[sflag:s15] =	ssyncset.done $0x0  }
0x6e: {  	s13 =	simm.s32 $0x18A18;
	[sflag:s15] =	ssyncadd.s32 $0xFFFFE400  }
0x6f: {  	[spmem:s3] =	stream.indirect.scatter.add.f32 [tilespmem:s20], [sflag:$0x6], $0x80, s13, s17, $0xb8;
	[tilespmem:$0x1FAC0] =	vst v63  }
0x70: {  	_ =	swait.ge [sflag:s16], $0x1C00  }
0x71: {  	[sflag:s16] =	ssyncset.done $0x0  }
0x72: {  	s2 =	simm.s32 $0x18A50;
	[sflag:s16] =	ssyncadd.s32 $0xFFFFE400  }
0x73: {  	[spmem:s3] =	stream.indirect.scatter.add.f32 [tilespmem:s22], [sflag:$0x7], $0x80, s2, s17, $0xb8;
	[tilespmem:$0x1FAC0] =	vst v63  }
0x74: {  	_ =	swait.ge [sflag:s26], $0x1C00  }
0x75: {  	[sflag:s26] =	ssyncset.done $0x0  }
0x76: {  	[sflag:s26] =	ssyncadd.s32 $0xFFFFE400  }
0x77: {  	[spmem:s3] =	stream.indirect.scatter.add.f32 [tilespmem:s25], [sflag:$0x8], $0x80, s19, s17, $0xb8;
	[tilespmem:$0x1FAC0] =	vst v63  }
0x78: {  	_ =	swait.ge [sflag:s28], $0x1C00  }
0x79: {  	[sflag:s28] =	ssyncset.done $0x0  }
0x7a: {  	[sflag:s28] =	ssyncadd.s32 $0xFFFFE400  }
0x7b: {  	_ =	swait.ge [sflag:s29], $0x1C00  }
0x7c: {  	[sflag:s29] =	ssyncset.done $0x0  }
0x7d: {  	[sflag:s29] =	ssyncadd.s32 $0xFFFFE400  }
0x7e: {  	_ =	swait.ge [sflag:s30], $0x1C00  }
0x7f: {  	[sflag:s30] =	ssyncset.done $0x0  }
0x80: {  	[sflag:s30] =	ssyncadd.s32 $0xFFFFE400  }
0x81: {  	_ =	swait.ge [sflag:s31], $0x1C00  }
0x82: {  	s23 =	sadd.s32 $0x1, s23;
	[sflag:s31] =	ssyncset.done $0x0  }
0x83: {  	p0 =	sne.s32 s23, s10;
	[sflag:s31] =	ssyncadd.s32 $0xFFFFE400  }
.Ltmp1:
0x84: {  	s13 =	sor.u32 $0x1C09, s6;
	[bflag:$0x0] =	sbarrier.arrive $0xFFFF;
	(pc) =	sbr.rel @p0 .LBB2_1-.Ltmp1, $4  }
0x85: {  	[hbm:s24], [sflag:s13] =	dma.local [spmem:s11], $0x2780  }
0x86: {  	_ =	swait.ge [sflag:s21], $0x2780  }
0x87: {  	[sflag:s21] =	ssyncset.done $0x0  }
0x88: {  	[sflag:s21] =	ssyncadd.s32 $0xFFFFD880  }
0x89: {  	_ =	sfence.sel $0x180000  }
0x8a: {  	[bflag:$0x0] =	sbarrier.arrive $0xFFFF  }
0x8b: {  	_ =	strace $0x9000004D  }
0x8c: {  	s0 =	stileid.u32;
	[bflag:$0x2] =	sbarrier.arrive $0xFFFF  }
0x8d: {  	p0 =	sne.s32 s0, $0x0;
	s0 =	rddreg [dreg:$0x3]  }
0x8e: {  	s0 =	sadd.s32 @!p0 $0x100000, s0  }
0x8f: {  	[sflag:s0] =	ssyncadd.tile.s32 @!p0 $0x1;
	_ =	shalt  }
.Lfunc_end2:
_tile_overlayer_lowered:
.L_overlay_start_2:
0x90: {  	(tag) =	ssettag $0x2  }
0x91: {  	s0 =	rddreg [dreg:$0x0];
	s2 =	stileid.u32  }
0x92: {  	s1 =	rddreg [dreg:$0x1];
	p0 =	sne.s32 s2, $0x0  }
0x93: {  	s3 =	rddreg [dreg:$0x2];
	[bflag:$0x3] =	sbarrier.arrive $0xFFFF;
	s2 =	simm.s32 @!p0 $0x1C09  }
0x94: {  	[timem:s3], [sflag:s2] =	dma.local @!p0 [hbm:s0], s1  }
0x95: {  	s0 =	simm.s32 @!p0 $0x9  }
0x96: {  	_ =	swait.ge @!p0 [sflag:s0], s1  }
0x97: {  	s1 =	ssub.s32 @!p0 $0x0, s1;
	[sflag:s0] =	ssyncset.done @!p0 $0x0  }
0x98: {  	[sflag:s0] =	ssyncadd.s32 @!p0 s1  }
0x99: {  	[bflag:$0x3] =	sbarrier.arrive $0xFFFF  }
0x9a: {  	_ =	shalt  }

// kernel: kernel.8.cloned.1.call-start
scs
__scs_entry_jumppad:
0x0: {  	(pc) =	sbr.rel $0x88, $3  }
0x1: {  	(tag) =	ssettag $0x0;
	lr =	simm.s32 $0x1  }
0x2: {  	[smem:$0x3F96] =	sst lr;
	_ =	strace $0xD0000000  }
0x3: {  	_ = 	snop  }
0x4: {  	_ = 	snop  }
0x5: {  	_ = 	snop  }
0x6: {  	_ = 	snop  }
0x7: {  	_ = 	snop  }
__scs_overlays_trampoline_lowered:
0x8: {  	[smem:$0x3FA5] =	sst s0  }
0x9: {  	[smem:$0x3FA6] =	sst s1  }
0xa: {  	[smem:$0x3FA7] =	sst s2  }
0xb: {  	[smem:$0x3FA8] =	sst s3  }
0xc: {  	[smem:$0x3FA9] =	sst s4  }
0xd: {  	[smem:$0x3FAA] =	sst s5  }
0xe: {  	[smem:$0x3FAB] =	sst s6  }
0xf: {  	[smem:$0x3FAC] =	sst s7  }
0x10: {  	[smem:$0x3FAD] =	sst s8  }
0x11: {  	[smem:$0x3FAE] =	sst s9;
	s0 =	simm.s32 @!p0 $0x0  }
0x12: {  	s1 =	sld [smem:$0x3F94];
	s0 =	simm.s32 @p0 $0x1  }
0x13: {  	[smem:$0x3FAF] =	sst s0;
	s0 =	simm.s32 @!p1 $0x0  }
0x14: {  	s2 =	sld [smem:$0x3F93];
	s0 =	simm.s32 @p1 $0x1  }
0x15: {  	[smem:$0x3FB0] =	sst s0;
	s0 =	simm.s32 @!p2 $0x0  }
0x16: {  	s3 =	sld [smem:$0x3FDB];
	s0 =	simm.s32 @p2 $0x1  }
0x17: {  	s4 =	simm.s32 $0x1BF5;
	[smem:$0x3FB2] =	sst s0  }
0x18: {  	s0 =	sld [smem:$0x3F95];
	_ =	swait.ge [sflag:s4], $0x0  }
0x19: {  	s7 =	sld [smem:$0x3F96]  }
0x1a: {  	s8 =	sadd.s32 $0xFFFFE003, lr  }
0x1b: {  	s9 =	sadd.s32 $0xFFFFFEF7, lr;
	s5 =	simm.s32 $0xFFFFFFFF;
	p2 =	slt.u32 s8, $0xFFFFF086  }
0x1c: {  	p1 =	slt.u32 s9, $0xF7A;
	s5 =	simm.s32 @!p2 $0x0  }
0x1d: {  	s5 =	simm.s32 @p1 $0x1;
	p0 =	seq.s32 s7, s2  }
0x1e: {  	s7 =	smul.u32 @!p0 $0xF7A, s2;
	p2 =	seq.s32 @!p0 s5, $0x0  }
0x1f: {  	s9 =	smul.u32 $0xF7A, s1;
	s8 =	simm.s32 @!p0 $0x1BF5;
	p2 =	por !p2, p0  }
0x20: {  	[sflag:s8] =	ssyncset.s32 @!p0 $0xFFFFF086;
	s6 =	sadd.s32 @!p0 s3, s7;
	s7 =	simm.s32 @!p0 $0x108  }
0x21: {  	s3 =	sadd.s32 s3, s9;
	s6 =	sadd.s32 @!p0 $0x88, s6;
	s7 =	simm.s32 @p2 $0x1082  }
0x22: {  	[simem:s7], [sflag:s8] =	dma.local @!p0 [hbm:s6], $0xF7A  }
0x23: {  	s9 =	sor.u32 $0xD0000000, s2;
	s6 =	simm.s32 $0x108;
	_ =	swait.ge @!p0 [sflag:s8], $0x0  }
0x24: {  	s3 =	sadd.s32 $0x88, s3;
	s6 =	simm.s32 @!p1 $0x1082;
	[sflag:s4] =	ssyncset.s32 $0xFFFFF086  }
0x25: {  	[simem:s6], [sflag:s4] =	dma.local [hbm:s3], $0xF7A  }
0x26: {  	[smem:$0x3F96] =	sst s1;
	(tag) =	ssettag s2;
	_ =	strace s9  }
0x27: {  	s1 =	sld [smem:$0x3FA6]  }
0x28: {  	s2 =	sld [smem:$0x3FA7]  }
0x29: {  	s4 =	sld [smem:$0x3FA9]  }
0x2a: {  	p0 =	seq.s32 s5, $0x0;
	s5 =	sld [smem:$0x3FAA]  }
0x2b: {  	s6 =	sld [smem:$0x3FAB]  }
0x2c: {  	s7 =	sld [smem:$0x3FAC]  }
0x2d: {  	s3 =	simm.s32 $0x108;
	s8 =	sld [smem:$0x3FAD]  }
0x2e: {  	s3 =	simm.s32 @!p0 $0x1082;
	s9 =	sld [smem:$0x3FAE]  }
0x2f: {  	lr =	sadd.s32 s0, s3;
	s0 =	sld [smem:$0x3FA5]  }
0x30: {  	s3 =	sld [smem:$0x3FA8]  }
0x31: {  	[smem:$0x3FB1] =	sst s10  }
0x32: {  	s10 =	sld [smem:$0x3FAF];
	_ =	sdelay $0x3  }
0x33: {  	p0 =	seq.s32 s10, $0x1;
	s10 =	sld [smem:$0x3FB1];
	_ =	sdelay $0x3  }
0x34: {  	[smem:$0x3FB1] =	sst s10  }
0x35: {  	s10 =	sld [smem:$0x3FB0];
	_ =	sdelay $0x3  }
0x36: {  	p1 =	seq.s32 s10, $0x1;
	s10 =	sld [smem:$0x3FB1];
	_ =	sdelay $0x3  }
0x37: {  	[smem:$0x3FB1] =	sst s10  }
0x38: {  	s10 =	sld [smem:$0x3FB2]  }
0x39: {  	_ = 	snop;
	(pc) =	sbr.ind lr, $3  }
0x3a: {  	_ = 	snop  }
0x3b: {  	_ = 	snop  }
0x3c: {  	p2 =	seq.s32 s10, $0x1;
	s10 =	sld [smem:$0x3FB1]  }
0x3d: {  	_ =	shalt  }
0x3e: {  	_ =	shalt  }
0x3f: {  	_ =	shalt  }
0x40: {  	_ =	shalt  }
0x41: {  	_ =	shalt  }
0x42: {  	_ =	shalt  }
0x43: {  	_ =	shalt  }
0x44: {  	_ =	shalt  }
0x45: {  	_ =	shalt  }
0x46: {  	_ =	shalt  }
0x47: {  	_ =	shalt  }
0x48: {  	_ =	shalt  }
0x49: {  	_ =	shalt  }
0x4a: {  	_ =	shalt  }
0x4b: {  	_ =	shalt  }
0x4c: {  	_ =	shalt  }
0x4d: {  	_ =	shalt  }
0x4e: {  	_ =	shalt  }
0x4f: {  	_ =	shalt  }
0x50: {  	_ =	shalt  }
0x51: {  	_ =	shalt  }
0x52: {  	_ =	shalt  }
0x53: {  	_ =	shalt  }
0x54: {  	_ =	shalt  }
0x55: {  	_ =	shalt  }
0x56: {  	_ =	shalt  }
0x57: {  	_ =	shalt  }
0x58: {  	_ =	shalt  }
0x59: {  	_ =	shalt  }
0x5a: {  	_ =	shalt  }
0x5b: {  	_ =	shalt  }
0x5c: {  	_ =	shalt  }
0x5d: {  	_ =	shalt  }
0x5e: {  	_ =	shalt  }
0x5f: {  	_ =	shalt  }
0x60: {  	_ =	shalt  }
0x61: {  	_ =	shalt  }
0x62: {  	_ =	shalt  }
0x63: {  	_ =	shalt  }
0x64: {  	_ =	shalt  }
0x65: {  	_ =	shalt  }
0x66: {  	_ =	shalt  }
0x67: {  	_ =	shalt  }
0x68: {  	_ =	shalt  }
0x69: {  	_ =	shalt  }
0x6a: {  	_ =	shalt  }
0x6b: {  	_ =	shalt  }
0x6c: {  	_ =	shalt  }
0x6d: {  	_ =	shalt  }
0x6e: {  	_ =	shalt  }
0x6f: {  	_ =	shalt  }
0x70: {  	_ =	shalt  }
0x71: {  	_ =	shalt  }
0x72: {  	_ =	shalt  }
0x73: {  	_ =	shalt  }
0x74: {  	_ =	shalt  }
0x75: {  	_ =	shalt  }
0x76: {  	_ =	shalt  }
0x77: {  	_ =	shalt  }
0x78: {  	_ =	shalt  }
0x79: {  	_ =	shalt  }
0x7a: {  	_ =	shalt  }
0x7b: {  	_ =	shalt  }
0x7c: {  	_ =	shalt  }
0x7d: {  	_ =	shalt  }
0x7e: {  	_ =	shalt  }
0x7f: {  	_ =	shalt  }
0x80: {  	_ =	shalt  }
0x81: {  	_ =	shalt  }
0x82: {  	_ =	shalt  }
0x83: {  	_ =	shalt  }
0x84: {  	_ =	shalt  }
0x85: {  	_ =	shalt  }
0x86: {  	_ =	shalt  }
0x87: {  	_ =	shalt  }
.Lfunc_end0:
.L_simem_size_0:
called_computation_lowered:
.L_overlay_start_0:
0x88: {  	s2 =	sld [smem:$0x3FD9]  }
0x89: {  	s3 =	sld [smem:$0x3FFE];
	_ =	sdelay $0x1  }
0x8a: {  	s1 =	srdreg.scid  }
0x8b: {  	s0 =	sand.u32 $0x1, s1  }
0x8c: {  	s17 =	sshll.u32 s0, $0xA;
	s2 =	sadd.s32 s3, s2  }
0x8d: {  	s2 =	sadd.s32 s2, s17  }
0x8e: {  	[smem:$0x3FBD] =	sst s2  }
0x8f: {  	_ = 	snop  }
0x90: {  	s2 =	sld [smem:$0x3FC9]  }
0x91: {  	s18 =	sld [smem:$0x3FD0];
	(tm) =	ssettm $0x1  }
0x92: {  	s4 =	sld [smem:$0x3FFB];
	_ =	sdelay $0x3  }
0x93: {  	_ =	strace s4  }
0x94: {  	s4 =	sld [smem:$0x3FFC];
	_ =	sdelay $0x3  }
0x95: {  	_ =	strace s4  }
0x96: {  	s4 =	sld [smem:$0x3FFD];
	_ =	sdelay $0x3  }
0x97: {  	_ =	strace s4  }
0x98: {  	_ =	strace $0x8FFFFFFF  }
0x99: {  	s19 =	sld [smem:$0x3FDB];
	_ =	sdelay $0x1  }
0x9a: {  	s5 =	simm.s32 $_scs_section_size  }
0x9b: {  	s6 =	simm.s32 $_size__tile_overlayer_lowered;
	s7 =	simm.s32 $_tile_overlayer_lowered  }
0x9c: {  	s22 =	simm.s32 $0x1BFF;
	s21 =	sshll.u32 s7, $0x1;
	s4 =	sadd.s32 s5, s19  }
0x9d: {  	s8 =	simm.s32 $0x0;
	s20 =	sshll.u32 s6, $0x1;
	s6 =	sadd.s32 s21, s4  }
0x9e: {  	[timem:s8], [sflag:s22] =	dma.local [hbm:s6], s20  }
0x9f: {  	_ =	swait.ge [sflag:s22], s20  }
0xa0: {  	s5 =	ssub.s32 $0x0, s20;
	[sflag:s22] =	ssyncset.done $0x0  }
0xa1: {  	[sflag:s22] =	ssyncadd.s32 s5;
	_ =	sdelay $0x1  }
0xa2: {  	s23 =	simm.s32 $0x1B8B  }
0xa3: {  	_ =	swait.ge [sflag:s23], $0x1  }
0xa4: {  	[sflag:s23] =	ssyncset.done $0x0  }
0xa5: {  	s25 =	simm.s32 $0x1B8E;
	s24 =	sld [smem:$0x3FFE];
	[sflag:s23] =	ssyncadd.s32 $0xFFFFFFFF  }
0xa6: {  	s26 =	simm.s32 $execute0_lowered;
	[smem:$0x3FD2] =	sst s25  }
0xa7: {  	s6 =	sshll.u32 s26, $0x1;
	_ =	strace $0x80000046;
	[dreg:$0x1] =	wrdreg $0xFFFFFFFF  }
0xa8: {  	s28 =	simm.s32 $_size_execute0_lowered;
	s4 =	sadd.s32 s4, s6;
	[dreg:$0x0] =	wrdreg $0x0  }
0xa9: {  	s6 =	sshll.u32 s28, $0x1;
	[dreg:$0x2] =	wrdreg s4  }
0xaa: {  	[dreg:$0x3] =	wrdreg s6  }
0xab: {  	[dreg:$0x4] =	wrdreg $0xC0  }
0xac: {  	_ =	task [dreg:s8], $0x5FFFF  }
0xad: {  	[dreg:$0x1] =	wrdreg $0xFFFFFFFF  }
0xae: {  	[dreg:$0x0] =	wrdreg $0x60  }
0xaf: {  	[dreg:$0x2] =	wrdreg s2  }
0xb0: {  	[dreg:$0x3] =	wrdreg s24  }
0xb1: {  	[dreg:$0x4] =	wrdreg s18  }
0xb2: {  	[dreg:$0x5] =	wrdreg $0x0  }
0xb3: {  	[dreg:$0x6] =	wrdreg $0x1DEC00  }
0xb4: {  	[dreg:$0x7] =	wrdreg $0x9  }
0xb5: {  	_ =	task.clear_ibuf [dreg:s8], $0x8FFFF;
	_ =	strace $0x90000046  }
0xb6: {  	s29 =	simm.s32 $0x9;
	_ =	strace $0x80000048  }
0xb7: {  	_ =	swait.ge [sflag:s29], $0x1  }
0xb8: {  	[sflag:s29] =	ssyncadd.s32 $0xFFFFFFFF  }
0xb9: {  	_ =	strace $0x90000048  }
0xba: {  	_ =	sfence  }
0xbb: {  	s30 =	sld [smem:$0x0];
	_ =	sdelay $0x2  }
0xbc: {  	s31 =	sshll.u32 s1, $0xD;
	s1 =	sshrl.u32 s1, $0x2  }
0xbd: {  	s3 =	sand.u32 $0x4000, s31;
	s1 =	sadd.s32 s1, s30  }
0xbe: {  	s0 =	sor.u32 s3, s0;
	s1 =	sshll.u32 s1, $0x11  }
0xbf: {  	s0 =	sor.u32 s1, s0  }
0xc0: {  	s0 =	sadd.s32 $0x8F2B, s0  }
0xc1: {  	[sflag:s0] =	ssyncadd.remote.s32 $0x1  }
0xc2: {  	_ =	sfence.sel $0xFFFF  }
0xc3: {  	[dreg:$0x0] =	wrdreg $0xFFFFFFFF;
	(pc) =	sbr.abs _section_cstart, $3  }
0xc4: {  	[dreg:$0x1] =	wrdreg $0xFFFFFFFF  }
0xc5: {  	_ =	task.clear_ibuf [dreg:s8], $0x2FFFF;
	_ =	strace $0x9FFFFFFF  }
0xc6: {  	(tm) =	ssettm $0x7FFFFFFF  }
0xc7: {  	_ =	shalt  }
tec
execute0_lowered:
.L_overlay_start_1:
0x0: {  	(tag) =	ssettag $0x1  }
0x1: {  	s0 =	rddreg [dreg:$0x0]  }
0x2: {  	s1 =	rddreg [dreg:$0x1]  }
0x3: {  	s6 =	rddreg [dreg:$0x2]  }
0x4: {  	s2 =	srdreg.scid;
	s3 =	rddreg [dreg:$0x3]  }
0x5: {  	s13 =	stileid.u32;
	s4 =	rddreg [dreg:$0x4]  }
0x6: {  	s16 =	simm.s32 $0x16360;
	s19 =	simm.s32 $0x1F280;
	s28 =	simm.s32 $0x38  }
0x7: {  	s29 =	simm.s32 $0x18AC0;
	s31 =	simm.s32 $0x1A6C0;
	s30 =	simm.s32 $0x16398  }
0x8: {  	s2 =	sand.u32 $0x1, s2;
	s8 =	sadd.s32 $0x17C00, s1;
	s10 =	smul.u32 $0x13C00, s13  }
0x9: {  	s20 =	sadd.s32 $0x3C00, s1;
	s9 =	sadd.s32 $0x3A00, s1;
	s11 =	smul.u32 $0x2780, s13  }
0xa: {  	s5 =	sshll.u32 s2, $0x4;
	s21 =	smul.u32 $0x27800, s2;
	s22 =	ssub.s32 $0x2, s2  }
0xb: {  	s2 =	smul.u32 $0x2780, s2;
	s7 =	sor.u32 s13, s5;
	s5 =	simm.s32 $0x0  }
0xc: {  	s23 =	sshrl.u32 s22, $0x1;
	s12 =	sadd.s32 s10, s3;
	s24 =	sshrl.u32 s11, $0x1  }
0xd: {  	s10 =	sshrl.u32 s10, $0x3;
	s26 =	sshrl.u32 s11, $0x4;
	[smem:$0x7FF] =	sst s5  }
0xe: {  	s7 =	smul.u32 $0x4EC, s7;
	_ =	strace $0x80000047;
	[dreg:$0x6] =	wrdreg s8  }
0xf: {  	s25 =	sadd.s32 s24, s4;
	s2 =	sadd.s32 s6, s2;
	[dreg:$0x7] =	wrdreg s20  }
0x10: {  	s6 =	simm.s32 $0x5;
	[dreg:$0x8] =	wrdreg s9;
	s8 =	ssub.s32 s22, s23  }
0x11: {  	s9 =	sshll.u32 s13, $0x6;
	s18 =	sshrl.u32 s25, $0x3;
	s20 =	simm.s32 $0x1  }
0x12: {  	s23 =	simm.s32 $0x3;
	s24 =	sadd.s32 s26, s2;
	s25 =	simm.s32 $0x7  }
0x13: {  	s26 =	simm.s32 $0x4;
	s2 =	simm.s32 $0x163D0;
	s7 =	sadd.s32 s7, s1  }
0x14: {  	s1 =	sadd.s32 s21, s1;
	s13 =	sor.u32 $0x1C01, s9;
	s17 =	sor.u32 $0x1C07, s9  }
.Ltmp0:
0x15: {  	s21 =	simm.s32 $0x2;
	[dreg:$0x9] =	wrdreg s13;
	(pc) =	sbr.rel .LBB2_1-.Ltmp0, $4  }
0x16: {  	s14 =	sadd.s32 $0x4000, s7;
	s7 =	sadd.s32 $0xDE00, s7;
	s1 =	sadd.s32 $0x1A400, s1  }
0x17: {  	s13 =	smax.u32 s8, $0x1;
	s8 =	simm.s32 $0x8;
	[dreg:$0xa] =	wrdreg s14  }
0x18: {  	[dreg:$0xb] =	wrdreg s7;
	s14 =	sshrl.u32 s12, $0x3;
	s22 =	sadd.s32 s10, s1  }
0x19: {  	s1 =	simm.s32 $0x1C2C0;
	s7 =	simm.s32 $0x6;
	s10 =	simm.s32 $0x0  }
.LBB2_4:
0x1a: {  	_ =	swait.ge [sflag:s6], $0x1C00  }
0x1b: {  	[sflag:s6] =	ssyncset.done $0x0  }
0x1c: {  	[sflag:s6] =	ssyncadd.s32 $0xFFFFE400  }
0x1d: {  	_ =	swait.ge [sflag:s7], $0x1C00  }
0x1e: {  	[sflag:s7] =	ssyncset.done $0x0  }
0x1f: {  	[sflag:s7] =	ssyncadd.s32 $0xFFFFE400  }
0x20: {  	_ =	swait.ge [sflag:s25], $0x1C0  }
0x21: {  	[sflag:s25] =	ssyncset.done $0x0  }
0x22: {  	[sflag:s25] =	ssyncadd.s32 $0xFFFFFE40  }
0x23: {  	s11 =	sor.u32 $0x1C08, s9;
	[bflag:$0x0] =	sbarrier.arrive $0xFFFF  }
0x24: {  	[hbm:s22], [sflag:s11] =	dma.local [spmem:s14], $0x2780  }
0x25: {  	s10 =	sadd.s32 $0x1, s10;
	_ =	swait.ge [sflag:s8], $0x2780  }
0x26: {  	p0 =	sne.s32 s10, s13;
	[sflag:s8] =	ssyncset.done $0x0  }
.Ltmp1:
0x27: {  	[sflag:s8] =	ssyncadd.s32 $0xFFFFD880;
	(pc) =	sbr.rel @!p0 .LBB2_5-.Ltmp1, $4  }
0x28: {  	[hbm:s24], [sflag:s11] =	dma.local [spmem:s18], $0x278  }
0x29: {  	_ =	swait.ge [sflag:s8], $0x278  }
0x2a: {  	[sflag:s8] =	ssyncset.done $0x0  }
0x2b: {  	[sflag:s8] =	ssyncadd.s32 $0xFFFFFD88  }
.LBB2_1:
0x2c: {  	s11 =	rddreg [dreg:$0x6]  }
0x2d: {  	s12 =	rddreg [dreg:$0x9]  }
0x2e: {  	[spmem:s14], [sflag:s12] =	dma.local [hbm:s11], $0x2780  }
0x2f: {  	s12 =	simm.s32 $0x13C00;
	s11 =	rddreg [dreg:$0xa]  }
0x30: {  	[tilespmem:s12], [sflag:$0x2] =	stream.linear.gather [hbm4b:s11+s5], $0x2760, $0x38;
	[tilespmem:$0x1F440] =	vst v63  }
0x31: {  	s15 =	rddreg [dreg:$0xb]  }
0x32: {  	[tilespmem:s16], [sflag:$0x3] =	stream.linear.gather [hbm4b:s15+s5], $0x2760, $0x38;
	[tilespmem:$0x1F440] =	vst v63  }
0x33: {  	s15 =	rddreg [dreg:$0x7]  }
0x34: {  	[spmem:s18], [sflag:s17] =	dma.local [hbm:s15], $0x278  }
0x35: {  	s11 =	rddreg [dreg:$0x8]  }
0x36: {  	[tilespmem:s19], [sflag:$0x4] =	stream.linear.gather [hbm4b:s11+s5], $0x1C0, $0x38;
	[tilespmem:$0x1F440] =	vst v63  }
0x37: {  	_ =	swait.ge [sflag:s20], $0x2780  }
0x38: {  	[sflag:s20] =	ssyncset.done $0x0  }
0x39: {  	[sflag:s20] =	ssyncadd.s32 $0xFFFFD880  }
0x3a: {  	_ =	swait.ge [sflag:s21], $0x2760  }
0x3b: {  	[sflag:s21] =	ssyncset.done $0x0  }
0x3c: {  	[sflag:s21] =	ssyncadd.s32 $0xFFFFD8A0  }
0x3d: {  	_ =	swait.ge [sflag:s23], $0x2760  }
0x3e: {  	[sflag:s23] =	ssyncset.done $0x0  }
0x3f: {  	[sflag:s23] =	ssyncadd.s32 $0xFFFFD8A0  }
0x40: {  	_ =	swait.ge [sflag:s25], $0x278  }
0x41: {  	[sflag:s25] =	ssyncset.done $0x0  }
0x42: {  	[sflag:s25] =	ssyncadd.s32 $0xFFFFFD88  }
0x43: {  	_ =	swait.ge [sflag:s26], $0x1C0  }
0x44: {  	[sflag:s26] =	ssyncset.done $0x0  }
0x45: {  	[sflag:s26] =	ssyncadd.s32 $0xFFFFFE40  }
0x46: {  	[bflag:$0x0] =	sbarrier.arrive $0xFFFF  }
0x47: {  	[tilespmem:s29], [sflag:$0x1] =	stream.indirect.gather [hbm4b:s0+s28], $0x80, s12, s28, $0xb8;
	[tilespmem:$0x1F440] =	vst v63  }
0x48: {  	s15 =	simm.s32 $0x13C38  }
0x49: {  	[tilespmem:s31], [sflag:$0x2] =	stream.indirect.gather [hbm4b:s0+s28], $0x80, s15, s28, $0xb8;
	[tilespmem:$0x1F440] =	vst v63  }
0x4a: {  	s12 =	simm.s32 $0x13C70  }
0x4b: {  	[tilespmem:s1], [sflag:$0x3] =	stream.indirect.gather [hbm4b:s0+s28], $0x80, s12, s28, $0xb8;
	[tilespmem:$0x1F440] =	vst v63  }
0x4c: {  	_ =	swait.ge [sflag:s20], $0x1C00  }
0x4d: {  	[sflag:s20] =	ssyncset.done $0x0  }
0x4e: {  	[sflag:s20] =	ssyncadd.s32 $0xFFFFE400  }
0x4f: {  	[spmem:s3] =	stream.indirect.scatter.add.f32 [tilespmem:s29], [sflag:$0x4], $0x80, s16, s28, $0xb8;
	[tilespmem:$0x1F440] =	vst v63  }
0x50: {  	_ = 	snop  }
0x51: {  	[spmem:s4] =	stream.indirect.scatter.add.bf16 [tilespmem:s19], [sflag:$0x7], $0x8, s16, s28, $0xb8;
	[tilespmem:$0x1F440] =	vst v63  }
0x52: {  	_ =	swait.ge [sflag:s21], $0x1C00  }
0x53: {  	[sflag:s21] =	ssyncset.done $0x0  }
0x54: {  	[sflag:s21] =	ssyncadd.s32 $0xFFFFE400  }
0x55: {  	[spmem:s3] =	stream.indirect.scatter.add.f32 [tilespmem:s31], [sflag:$0x5], $0x80, s30, s28, $0xb8;
	[tilespmem:$0x1F440] =	vst v63  }
0x56: {  	_ =	swait.ge [sflag:s25], $0x1C0  }
0x57: {  	[sflag:s25] =	ssyncset.done $0x0  }
0x58: {  	[sflag:s25] =	ssyncadd.s32 $0xFFFFFE40  }
0x59: {  	[spmem:s4] =	stream.indirect.scatter.add.bf16 [tilespmem:s19], [sflag:$0x7], $0x8, s30, s28, $0xb8;
	[tilespmem:$0x1F440] =	vst v63  }
0x5a: {  	_ =	swait.ge [sflag:s23], $0x1C00  }
0x5b: {  	[sflag:s23] =	ssyncset.done $0x0  }
0x5c: {  	[sflag:s23] =	ssyncadd.s32 $0xFFFFE400  }
0x5d: {  	[spmem:s3] =	stream.indirect.scatter.add.f32 [tilespmem:s1], [sflag:$0x6], $0x80, s2, s28, $0xb8;
	[tilespmem:$0x1F440] =	vst v63  }
0x5e: {  	_ =	swait.ge [sflag:s25], $0x1C0  }
0x5f: {  	[sflag:s25] =	ssyncset.done $0x0  }
0x60: {  	[sflag:s25] =	ssyncadd.s32 $0xFFFFFE40  }
0x61: {  	[spmem:s4] =	stream.indirect.scatter.add.bf16 [tilespmem:s19], [sflag:$0x7], $0x8, s2, s28, $0xb8;
	[tilespmem:$0x1F440] =	vst v63  }
0x62: {  	_ =	swait.ge [sflag:s26], $0x1C00  }
0x63: {  	[sflag:s26] =	ssyncset.done $0x0  }
0x64: {  	s15 =	simm.s32 $0x13CA8;
	[sflag:s26] =	ssyncadd.s32 $0xFFFFE400  }
0x65: {  	[tilespmem:s29], [sflag:$0x1] =	stream.indirect.gather [hbm4b:s0+s28], $0x80, s15, s28, $0xb8;
	[tilespmem:$0x1F440] =	vst v63  }
0x66: {  	_ =	swait.ge [sflag:s6], $0x1C00  }
0x67: {  	[sflag:s6] =	ssyncset.done $0x0  }
0x68: {  	s12 =	simm.s32 $0x13CE0;
	[sflag:s6] =	ssyncadd.s32 $0xFFFFE400  }
0x69: {  	[tilespmem:s31], [sflag:$0x2] =	stream.indirect.gather [hbm4b:s0+s28], $0x80, s12, s28, $0xb8;
	[tilespmem:$0x1F440] =	vst v63  }
0x6a: {  	_ =	swait.ge [sflag:s7], $0x1C00  }
0x6b: {  	[sflag:s7] =	ssyncset.done $0x0  }
0x6c: {  	s11 =	simm.s32 $0x0;
	s15 =	simm.s32 $0x13D18;
	[sflag:s7] =	ssyncadd.s32 $0xFFFFE400  }
0x6d: {  	[tilespmem:s1], [sflag:$0x3] =	stream.indirect.gather [hbm4b:s0+s28], $0x80, s15, s28, $0xb8;
	[tilespmem:$0x1F440] =	vst v63  }
.LBB2_2:
0x6e: {  	_ =	swait.ge [sflag:s20], $0x1C00  }
0x6f: {  	s12 =	sshra.s32 s11, $0x2;
	[sflag:s20] =	ssyncset.done $0x0  }
0x70: {  	s15 =	sadd.s32 $0x16408, s12;
	[sflag:s20] =	ssyncadd.s32 $0xFFFFE400  }
0x71: {  	[spmem:s3] =	stream.indirect.scatter.add.f32 [tilespmem:s29], [sflag:$0x4], $0x80, s15, s28, $0xb8;
	[tilespmem:$0x1F440] =	vst v63  }
0x72: {  	_ =	swait.ge [sflag:s25], $0x1C0  }
0x73: {  	[sflag:s25] =	ssyncset.done $0x0  }
0x74: {  	[sflag:s25] =	ssyncadd.s32 $0xFFFFFE40  }
0x75: {  	[spmem:s4] =	stream.indirect.scatter.add.bf16 [tilespmem:s19], [sflag:$0x7], $0x8, s15, s28, $0xb8;
	[tilespmem:$0x1F440] =	vst v63  }
0x76: {  	_ =	swait.ge [sflag:s21], $0x1C00  }
0x77: {  	[sflag:s21] =	ssyncset.done $0x0  }
0x78: {  	s15 =	sadd.s32 $0x16440, s12;
	[sflag:s21] =	ssyncadd.s32 $0xFFFFE400  }
0x79: {  	[spmem:s3] =	stream.indirect.scatter.add.f32 [tilespmem:s31], [sflag:$0x5], $0x80, s15, s28, $0xb8;
	[tilespmem:$0x1F440] =	vst v63  }
0x7a: {  	_ =	swait.ge [sflag:s25], $0x1C0  }
0x7b: {  	[sflag:s25] =	ssyncset.done $0x0  }
0x7c: {  	[sflag:s25] =	ssyncadd.s32 $0xFFFFFE40  }
0x7d: {  	[spmem:s4] =	stream.indirect.scatter.add.bf16 [tilespmem:s19], [sflag:$0x7], $0x8, s15, s28, $0xb8;
	[tilespmem:$0x1F440] =	vst v63  }
0x7e: {  	_ =	swait.ge [sflag:s23], $0x1C00  }
0x7f: {  	[sflag:s23] =	ssyncset.done $0x0  }
0x80: {  	s15 =	sadd.s32 $0x16478, s12;
	[sflag:s23] =	ssyncadd.s32 $0xFFFFE400  }
0x81: {  	[spmem:s3] =	stream.indirect.scatter.add.f32 [tilespmem:s1], [sflag:$0x6], $0x80, s15, s28, $0xb8;
	[tilespmem:$0x1F440] =	vst v63  }
0x82: {  	_ =	swait.ge [sflag:s25], $0x1C0  }
0x83: {  	p0 =	seq.s32 s11, $0x9840;
	[sflag:s25] =	ssyncset.done $0x0  }
.Ltmp2:
0x84: {  	[sflag:s25] =	ssyncadd.s32 $0xFFFFFE40;
	(pc) =	sbr.rel @p0 .LBB2_4-.Ltmp2, $4  }
0x85: {  	[spmem:s4] =	stream.indirect.scatter.add.bf16 [tilespmem:s19], [sflag:$0x7], $0x8, s15, s28, $0xb8;
	[tilespmem:$0x1F440] =	vst v63  }
0x86: {  	_ =	swait.ge [sflag:s26], $0x1C00  }
0x87: {  	[sflag:s26] =	ssyncset.done $0x0  }
0x88: {  	[sflag:s26] =	ssyncadd.s32 $0xFFFFE400  }
0x89: {  	s15 =	sadd.s32 $0x13D50, s12  }
0x8a: {  	[tilespmem:s29], [sflag:$0x1] =	stream.indirect.gather [hbm4b:s0+s28], $0x80, s15, s28, $0xb8;
	[tilespmem:$0x1F440] =	vst v63  }
0x8b: {  	_ =	swait.ge [sflag:s6], $0x1C00  }
0x8c: {  	[sflag:s6] =	ssyncset.done $0x0  }
0x8d: {  	s15 =	sadd.s32 $0x13D88, s12;
	[sflag:s6] =	ssyncadd.s32 $0xFFFFE400  }
0x8e: {  	[tilespmem:s31], [sflag:$0x2] =	stream.indirect.gather [hbm4b:s0+s28], $0x80, s15, s28, $0xb8;
	[tilespmem:$0x1F440] =	vst v63  }
.Ltmp3:
0x8f: {  	_ = 	snop;
	(pc) =	sbr.rel .LBB2_2-.Ltmp3, $4  }
0x90: {  	_ =	swait.ge [sflag:s7], $0x1C00  }
0x91: {  	[sflag:s7] =	ssyncset.done $0x0  }
0x92: {  	s11 =	sadd.s32 $0x2A0, s11;
	s15 =	sadd.s32 $0x13DC0, s12;
	[sflag:s7] =	ssyncadd.s32 $0xFFFFE400  }
0x93: {  	[tilespmem:s1], [sflag:$0x3] =	stream.indirect.gather [hbm4b:s0+s28], $0x80, s15, s28, $0xb8;
	[tilespmem:$0x1F440] =	vst v63  }
.LBB2_5:
0x94: {  	_ =	sfence.sel $0x180000  }
0x95: {  	[bflag:$0x0] =	sbarrier.arrive $0xFFFF  }
0x96: {  	_ =	strace $0x90000047  }
0x97: {  	s0 =	stileid.u32;
	[bflag:$0x2] =	sbarrier.arrive $0xFFFF  }
0x98: {  	p0 =	sne.s32 s0, $0x0;
	s0 =	rddreg [dreg:$0x5]  }
0x99: {  	s0 =	sadd.s32 @!p0 $0x100000, s0  }
0x9a: {  	[sflag:s0] =	ssyncadd.tile.s32 @!p0 $0x1;
	_ =	shalt  }
.Lfunc_end2:
_tile_overlayer_lowered:
.L_overlay_start_2:
0x9b: {  	(tag) =	ssettag $0x2  }
0x9c: {  	s0 =	rddreg [dreg:$0x0];
	s2 =	stileid.u32  }
0x9d: {  	s1 =	rddreg [dreg:$0x1];
	p0 =	sne.s32 s2, $0x0  }
0x9e: {  	s3 =	rddreg [dreg:$0x2];
	[bflag:$0x3] =	sbarrier.arrive $0xFFFF;
	s2 =	simm.s32 @!p0 $0x1C08  }
0x9f: {  	[timem:s3], [sflag:s2] =	dma.local @!p0 [hbm:s0], s1  }
0xa0: {  	s0 =	simm.s32 @!p0 $0x8  }
0xa1: {  	_ =	swait.ge @!p0 [sflag:s0], s1  }
0xa2: {  	s1 =	ssub.s32 @!p0 $0x0, s1;
	[sflag:s0] =	ssyncset.done @!p0 $0x0  }
0xa3: {  	[sflag:s0] =	ssyncadd.s32 @!p0 s1  }
0xa4: {  	[bflag:$0x3] =	sbarrier.arrive $0xFFFF  }
0xa5: {  	_ =	shalt  }

</sc_bundles>
